<compile_context>
chip_gen: v7x
topology: tpu7x:2x2x1
jax: 0.10.2.dev20260603
libtpu: 0.0.44.dev20260713+nightly
codegen_flags: <defaults>
</compile_context>

<pallas_src>
import functools

import jax
import jax.numpy as jnp
from jax import lax
from jax.experimental import pallas as pl
from jax.experimental.pallas import tpu as pltpu
from jax.experimental.pallas import tpu_sc as plsc

B = 16384
EMB = 128
NC = 2
NS = 16
L = 16
NW = NC * NS
BPW = B // NW
CH = 16
NCH = BPW // CH
NSLOT = 8
NCK = EMB // L


def _build():
    mesh = plsc.VectorSubcoreMesh(core_axis_name="c", subcore_axis_name="s")

    @functools.partial(
        pl.kernel,
        mesh=mesh,
        out_type=(
            jax.ShapeDtypeStruct((B,), jnp.float32),
            jax.ShapeDtypeStruct((B,), jnp.float32),
        ),
        scratch_types=[
            pltpu.VMEM((BPW,), jnp.int32),
            pltpu.VMEM((BPW,), jnp.int32),
            pltpu.VMEM((BPW,), jnp.int32),
            pltpu.VMEM((NSLOT * CH, EMB), jnp.float32),
            pltpu.VMEM((NSLOT * CH, EMB), jnp.float32),
            pltpu.VMEM((NSLOT * CH, EMB), jnp.float32),
            pltpu.VMEM((BPW,), jnp.float32),
            pltpu.VMEM((BPW,), jnp.float32),
            pltpu.SemaphoreType.DMA,
            pltpu.SemaphoreType.DMA((NSLOT,)),
        ],
    )
    def bprmf(user, pos, neg, utab, itab, pos_out, neg_out,
              uidx, pidx, nidx, ub, pb, nb, pov, nov, isem, sems):
        wid = lax.axis_index("s") * NC + lax.axis_index("c")
        base = wid * BPW
        hu = pltpu.async_copy(user.at[pl.ds(base, BPW)], uidx, isem)
        hp = pltpu.async_copy(pos.at[pl.ds(base, BPW)], pidx, isem)
        hn = pltpu.async_copy(neg.at[pl.ds(base, BPW)], nidx, isem)
        hu.wait()
        hp.wait()
        hn.wait()

        def fire(c):
            slot = lax.rem(c, NSLOT)
            s = sems.at[slot]
            off = pl.ds(c * CH, CH)
            dst = pl.ds(slot * CH, CH)
            pltpu.async_copy(utab.at[uidx.at[off]], ub.at[dst], s)
            pltpu.async_copy(itab.at[pidx.at[off]], pb.at[dst], s)
            pltpu.async_copy(itab.at[nidx.at[off]], nb.at[dst], s)

        def drain(c):
            slot = lax.rem(c, NSLOT)
            s = sems.at[slot]
            dst = pl.ds(slot * CH, CH)
            pltpu.make_async_copy(utab.at[uidx.at[pl.ds(0, CH)]], ub.at[dst], s).wait()
            pltpu.make_async_copy(itab.at[pidx.at[pl.ds(0, CH)]], pb.at[dst], s).wait()
            pltpu.make_async_copy(itab.at[nidx.at[pl.ds(0, CH)]], nb.at[dst], s).wait()

        lanes = lax.iota(jnp.int32, L)

        def hsum(acc):
            a8 = lax.slice(acc, (0,), (8,)) + lax.slice(acc, (8,), (16,))
            a4 = lax.slice(a8, (0,), (4,)) + lax.slice(a8, (4,), (8,))
            a2 = lax.slice(a4, (0,), (2,)) + lax.slice(a4, (2,), (4,))
            a1 = lax.slice(a2, (0,), (1,)) + lax.slice(a2, (1,), (2,))
            return lax.reshape(a1, ())

        def compute_chunk(c):
            slot = lax.rem(c, NSLOT)
            b0 = slot * CH

            def row(rr, carry):
                pvec, nvec = carry
                r = b0 + rr
                accp = jnp.zeros((L,), jnp.float32)
                accn = jnp.zeros((L,), jnp.float32)
                for ck in range(NCK):
                    sl = pl.ds(ck * L, L)
                    uc = ub[r, sl]
                    accp = accp + uc * pb[r, sl]
                    accn = accn + uc * nb[r, sl]
                hit = lanes == rr
                pvec = jnp.where(hit, hsum(accp), pvec)
                nvec = jnp.where(hit, hsum(accn), nvec)
                return (pvec, nvec)

            pvec, nvec = lax.fori_loop(
                0, L, row,
                (jnp.zeros((L,), jnp.float32), jnp.zeros((L,), jnp.float32)),
            )
            o = c * CH
            pov[pl.ds(o, L)] = pvec
            nov[pl.ds(o, L)] = nvec

        def prime(c, _):
            fire(c)
            return 0

        lax.fori_loop(0, NSLOT - 1, prime, 0)

        def chunk_body(c, _):
            @pl.when(c + NSLOT - 1 < NCH)
            def _():
                fire(c + NSLOT - 1)

            drain(c)
            compute_chunk(c)
            return 0

        lax.fori_loop(0, NCH, chunk_body, 0)

        pltpu.sync_copy(pov, pos_out.at[pl.ds(base, BPW)])
        pltpu.sync_copy(nov, neg_out.at[pl.ds(base, BPW)])

    return bprmf


_bprmf = _build()


def kernel(user, pos_item, neg_item, user_table, item_table):
    return _bprmf(
        user.astype(jnp.int32),
        pos_item.astype(jnp.int32),
        neg_item.astype(jnp.int32),
        user_table,
        item_table,
    )

# --- scband reference (transcript-rebuilt; emitter-appended) ---
"""Pipeline reference for scband-bprmf-12154757448171 (READ-ONLY COPY).

The authoritative reference and input builder live on the scoring server;
editing this copy changes nothing except your own understanding.
"""

import jax, jax.numpy as jnp
import numpy as np

NUM_USERS = 100000
NUM_ITEMS = 1000000
EMB = 128
B = 16384

def _xavier_uniform(key, shape):
    fan_in, fan_out = shape[1], shape[0]
    limit = float(np.sqrt(6.0 / (fan_in + fan_out)))
    return jax.random.uniform(key, shape, dtype=jnp.float32, minval=-limit, maxval=limit)

def setup_inputs(seed: int = 0) -> dict:
    key = jax.random.key(seed)
    k1, k2, k3, k4, k5 = jax.random.split(key, 5)
    user = jax.random.randint(k1, (B,), 0, NUM_USERS, dtype=jnp.int64) if jax.config.jax_enable_x64 else jax.random.randint(k1, (B,), 0, NUM_USERS, dtype=jnp.int32)
    pos_item = jax.random.randint(k2, (B,), 0, NUM_ITEMS, dtype=jnp.int32)
    neg_item = jax.random.randint(k3, (B,), 0, NUM_ITEMS, dtype=jnp.int32)
    user_table = _xavier_uniform(k4, (NUM_USERS, EMB))
    item_table = _xavier_uniform(k5, (NUM_ITEMS, EMB))
    return {"user": user, "pos_item": pos_item, "neg_item": neg_item, "user_table": user_table, "item_table": item_table}

def reference(user, pos_item, neg_item, user_table, item_table):
    user_e = jnp.take(user_table, user, axis=0)
    pos_e = jnp.take(item_table, pos_item, axis=0)
    neg_e = jnp.take(item_table, neg_item, axis=0)
    pos_scores = jnp.sum(user_e * pos_e, axis=1)
    neg_scores = jnp.sum(user_e * neg_e, axis=1)
    return (pos_scores, neg_scores)

if __name__ == "__main__":
    import jax
    _d = setup_inputs()
    print(jax.jit(kernel)(*tuple(_d.values())))

</pallas_src>

<mosaic_0001>
#map = affine_map<(d0, d1) -> (0)>
#map1 = affine_map<(d0, d1) -> (0, 0)>
module attributes {stable_mosaic.version = 14 : i64} {
  func.func @bprmf(%arg0: i32, %arg1: i32, %arg2: memref<16384xi32, #tpu.memory_space<hbm>>, %arg3: memref<16384xi32, #tpu.memory_space<hbm>>, %arg4: memref<16384xi32, #tpu.memory_space<hbm>>, %arg5: memref<100000x128xf32, #tpu.memory_space<hbm>>, %arg6: memref<1000000x128xf32, #tpu.memory_space<hbm>>, %arg7: memref<16384xf32, #tpu.memory_space<hbm>>, %arg8: memref<16384xf32, #tpu.memory_space<hbm>>, %arg9: memref<512xi32, #tpu.memory_space<vmem>>, %arg10: memref<512xi32, #tpu.memory_space<vmem>>, %arg11: memref<512xi32, #tpu.memory_space<vmem>>, %arg12: memref<128x128xf32, #tpu.memory_space<vmem>>, %arg13: memref<128x128xf32, #tpu.memory_space<vmem>>, %arg14: memref<128x128xf32, #tpu.memory_space<vmem>>, %arg15: memref<512xf32, #tpu.memory_space<vmem>>, %arg16: memref<512xf32, #tpu.memory_space<vmem>>, %arg17: memref<!tpu.dma_semaphore, #tpu.memory_space<semaphore_mem>>, %arg18: memref<8x!tpu.dma_semaphore, #tpu.memory_space<semaphore_mem>>) attributes {dimension_semantics = [#tpu.dimension_semantics<core_parallel>, #tpu.dimension_semantics<subcore_parallel>], iteration_bounds = array<i64: 2, 16>, scalar_prefetch = 0 : i64, scratch_operands = 10 : i64, tpu.core_type = #tpu.core_type<sc_vector_subcore>, window_params = [{transform_indices = #map}, {transform_indices = #map}, {transform_indices = #map}, {transform_indices = #map1}, {transform_indices = #map1}, {transform_indices = #map}, {transform_indices = #map}]} {
    %mul3A = arith.constant 2 : i32
    %mul3A_0 = arith.muli %arg1, %mul3A : i32
    %add3A = arith.addi %mul3A_0, %arg0 : i32
    %mul3A_1 = arith.constant 512 : i32
    %mul3A_2 = arith.muli %add3A, %mul3A_1 : i32
    %dma_start3A = tpu.memref_slice %arg2[%mul3A_2] : memref<16384xi32, #tpu.memory_space<hbm>> -> memref<512xi32, #tpu.memory_space<hbm>>
    %dma_start3A_3 = tpu.memref_slice %arg2[%mul3A_2] : memref<16384xi32, #tpu.memory_space<hbm>> -> memref<512xi32, #tpu.memory_space<hbm>>
    tpu.enqueue_dma source(%dma_start3A_3 : memref<512xi32, #tpu.memory_space<hbm>>) target(%arg9 : memref<512xi32, #tpu.memory_space<vmem>>) target_semaphore(%arg17 : memref<!tpu.dma_semaphore, #tpu.memory_space<semaphore_mem>>)
    %dma_start3A_4 = tpu.memref_slice %arg3[%mul3A_2] : memref<16384xi32, #tpu.memory_space<hbm>> -> memref<512xi32, #tpu.memory_space<hbm>>
    %dma_start3A_5 = tpu.memref_slice %arg3[%mul3A_2] : memref<16384xi32, #tpu.memory_space<hbm>> -> memref<512xi32, #tpu.memory_space<hbm>>
    tpu.enqueue_dma source(%dma_start3A_5 : memref<512xi32, #tpu.memory_space<hbm>>) target(%arg10 : memref<512xi32, #tpu.memory_space<vmem>>) target_semaphore(%arg17 : memref<!tpu.dma_semaphore, #tpu.memory_space<semaphore_mem>>)
    %dma_start3A_6 = tpu.memref_slice %arg4[%mul3A_2] : memref<16384xi32, #tpu.memory_space<hbm>> -> memref<512xi32, #tpu.memory_space<hbm>>
    %dma_start3A_7 = tpu.memref_slice %arg4[%mul3A_2] : memref<16384xi32, #tpu.memory_space<hbm>> -> memref<512xi32, #tpu.memory_space<hbm>>
    tpu.enqueue_dma source(%dma_start3A_7 : memref<512xi32, #tpu.memory_space<hbm>>) target(%arg11 : memref<512xi32, #tpu.memory_space<vmem>>) target_semaphore(%arg17 : memref<!tpu.dma_semaphore, #tpu.memory_space<semaphore_mem>>)
    %dma_wait3A = tpu.memref_slice %arg2[%mul3A_2] : memref<16384xi32, #tpu.memory_space<hbm>> -> memref<512xi32, #tpu.memory_space<hbm>>
    %dma_wait3A_8 = tpu.memref_slice %arg2[%mul3A_2] : memref<16384xi32, #tpu.memory_space<hbm>> -> memref<512xi32, #tpu.memory_space<hbm>>
    tpu.wait_dma2 semaphore(%arg17 : memref<!tpu.dma_semaphore, #tpu.memory_space<semaphore_mem>>) src(%dma_wait3A_8 : memref<512xi32, #tpu.memory_space<hbm>>) dst(%arg9 : memref<512xi32, #tpu.memory_space<vmem>>)
    %dma_wait3A_9 = tpu.memref_slice %arg3[%mul3A_2] : memref<16384xi32, #tpu.memory_space<hbm>> -> memref<512xi32, #tpu.memory_space<hbm>>
    %dma_wait3A_10 = tpu.memref_slice %arg3[%mul3A_2] : memref<16384xi32, #tpu.memory_space<hbm>> -> memref<512xi32, #tpu.memory_space<hbm>>
    tpu.wait_dma2 semaphore(%arg17 : memref<!tpu.dma_semaphore, #tpu.memory_space<semaphore_mem>>) src(%dma_wait3A_10 : memref<512xi32, #tpu.memory_space<hbm>>) dst(%arg10 : memref<512xi32, #tpu.memory_space<vmem>>)
    %dma_wait3A_11 = tpu.memref_slice %arg4[%mul3A_2] : memref<16384xi32, #tpu.memory_space<hbm>> -> memref<512xi32, #tpu.memory_space<hbm>>
    %dma_wait3A_12 = tpu.memref_slice %arg4[%mul3A_2] : memref<16384xi32, #tpu.memory_space<hbm>> -> memref<512xi32, #tpu.memory_space<hbm>>
    tpu.wait_dma2 semaphore(%arg17 : memref<!tpu.dma_semaphore, #tpu.memory_space<semaphore_mem>>) src(%dma_wait3A_12 : memref<512xi32, #tpu.memory_space<hbm>>) dst(%arg11 : memref<512xi32, #tpu.memory_space<vmem>>)
    %iota3A = tpu.iota {dimensions = array<i32: 0>} : vector<16xi32>
    %scan3A = arith.constant 0 : i32
    %scan3A_13 = arith.constant 0 : i32
    %scan3A_14 = arith.constant 7 : i32
    %scan3A_15 = arith.addi %scan3A_13, %scan3A_14 : i32
    %scan3A_16 = arith.constant 1 : i32
    %scan3A_17 = scf.for %scan3A_26 = %scan3A_13 to %scan3A_15 step %scan3A_16 iter_args(%scan3A_27 = %scan3A) -> (i32)  : i32 {
      %rem3A = arith.constant 8 : i32
      %rem3A_28 = arith.remsi %scan3A_26, %rem3A : i32
      %mul3A_29 = arith.constant 16 : i32
      %mul3A_30 = arith.muli %scan3A_26, %mul3A_29 : i32
      %mul3A_31 = arith.constant 16 : i32
      %mul3A_32 = arith.muli %rem3A_28, %mul3A_31 : i32
      %dma_start3A_33 = arith.constant 0 : i32
      %dma_start3A_34 = tpu.memref_slice %arg12[%mul3A_32, %dma_start3A_33] : memref<128x128xf32, #tpu.memory_space<vmem>> -> memref<16x128xf32, #tpu.memory_space<vmem>>
      %dma_start3A_35 = tpu.memref_slice %arg9[%mul3A_30] : memref<512xi32, #tpu.memory_space<vmem>> -> memref<16xi32, #tpu.memory_space<vmem>>
      %dma_start3A_36 = arith.constant 0 : i32
      %dma_start3A_37 = arith.constant 0 : i32
      %dma_start3A_38 = tpu.memref_slice %arg5[%dma_start3A_36, %dma_start3A_37] : memref<100000x128xf32, #tpu.memory_space<hbm>> -> memref<100000x128xf32, #tpu.memory_space<hbm>>
      %dma_start3A_39 = tpu.memref_slice %arg18[%rem3A_28] : memref<8x!tpu.dma_semaphore, #tpu.memory_space<semaphore_mem>> -> memref<1x!tpu.dma_semaphore, #tpu.memory_space<semaphore_mem>>
      %dma_start3A_40 = tpu.memref_squeeze %dma_start3A_39 : memref<1x!tpu.dma_semaphore, #tpu.memory_space<semaphore_mem>> -> memref<!tpu.dma_semaphore, #tpu.memory_space<semaphore_mem>>
      tpu.enqueue_indirect_dma source(%dma_start3A_38 : memref<100000x128xf32, #tpu.memory_space<hbm>>) target(%dma_start3A_34 : memref<16x128xf32, #tpu.memory_space<vmem>>) offsets(%dma_start3A_35 : memref<16xi32, #tpu.memory_space<vmem>>) semaphore(%dma_start3A_40 : memref<!tpu.dma_semaphore, #tpu.memory_space<semaphore_mem>>)
      %dma_start3A_41 = arith.constant 0 : i32
      %dma_start3A_42 = tpu.memref_slice %arg13[%mul3A_32, %dma_start3A_41] : memref<128x128xf32, #tpu.memory_space<vmem>> -> memref<16x128xf32, #tpu.memory_space<vmem>>
      %dma_start3A_43 = tpu.memref_slice %arg10[%mul3A_30] : memref<512xi32, #tpu.memory_space<vmem>> -> memref<16xi32, #tpu.memory_space<vmem>>
      %dma_start3A_44 = arith.constant 0 : i32
      %dma_start3A_45 = arith.constant 0 : i32
      %dma_start3A_46 = tpu.memref_slice %arg6[%dma_start3A_44, %dma_start3A_45] : memref<1000000x128xf32, #tpu.memory_space<hbm>> -> memref<1000000x128xf32, #tpu.memory_space<hbm>>
      %dma_start3A_47 = tpu.memref_slice %arg18[%rem3A_28] : memref<8x!tpu.dma_semaphore, #tpu.memory_space<semaphore_mem>> -> memref<1x!tpu.dma_semaphore, #tpu.memory_space<semaphore_mem>>
      %dma_start3A_48 = tpu.memref_squeeze %dma_start3A_47 : memref<1x!tpu.dma_semaphore, #tpu.memory_space<semaphore_mem>> -> memref<!tpu.dma_semaphore, #tpu.memory_space<semaphore_mem>>
      tpu.enqueue_indirect_dma source(%dma_start3A_46 : memref<1000000x128xf32, #tpu.memory_space<hbm>>) target(%dma_start3A_42 : memref<16x128xf32, #tpu.memory_space<vmem>>) offsets(%dma_start3A_43 : memref<16xi32, #tpu.memory_space<vmem>>) semaphore(%dma_start3A_48 : memref<!tpu.dma_semaphore, #tpu.memory_space<semaphore_mem>>)
      %dma_start3A_49 = arith.constant 0 : i32
      %dma_start3A_50 = tpu.memref_slice %arg14[%mul3A_32, %dma_start3A_49] : memref<128x128xf32, #tpu.memory_space<vmem>> -> memref<16x128xf32, #tpu.memory_space<vmem>>
      %dma_start3A_51 = tpu.memref_slice %arg11[%mul3A_30] : memref<512xi32, #tpu.memory_space<vmem>> -> memref<16xi32, #tpu.memory_space<vmem>>
      %dma_start3A_52 = arith.constant 0 : i32
      %dma_start3A_53 = arith.constant 0 : i32
      %dma_start3A_54 = tpu.memref_slice %arg6[%dma_start3A_52, %dma_start3A_53] : memref<1000000x128xf32, #tpu.memory_space<hbm>> -> memref<1000000x128xf32, #tpu.memory_space<hbm>>
      %dma_start3A_55 = tpu.memref_slice %arg18[%rem3A_28] : memref<8x!tpu.dma_semaphore, #tpu.memory_space<semaphore_mem>> -> memref<1x!tpu.dma_semaphore, #tpu.memory_space<semaphore_mem>>
      %dma_start3A_56 = tpu.memref_squeeze %dma_start3A_55 : memref<1x!tpu.dma_semaphore, #tpu.memory_space<semaphore_mem>> -> memref<!tpu.dma_semaphore, #tpu.memory_space<semaphore_mem>>
      tpu.enqueue_indirect_dma source(%dma_start3A_54 : memref<1000000x128xf32, #tpu.memory_space<hbm>>) target(%dma_start3A_50 : memref<16x128xf32, #tpu.memory_space<vmem>>) offsets(%dma_start3A_51 : memref<16xi32, #tpu.memory_space<vmem>>) semaphore(%dma_start3A_56 : memref<!tpu.dma_semaphore, #tpu.memory_space<semaphore_mem>>)
      %scan3A_57 = arith.constant 0 : i32
      scf.yield %scan3A_57 : i32
    }
    %scan3A_18 = arith.constant 7 : i32
    %scan3A_19 = arith.constant 0 : i32
    %scan3A_20 = arith.constant 0 : i32
    %scan3A_21 = arith.constant 32 : i32
    %scan3A_22 = arith.addi %scan3A_20, %scan3A_21 : i32
    %scan3A_23 = arith.constant 1 : i32
    %scan3A_24 = scf.for %scan3A_26 = %scan3A_20 to %scan3A_22 step %scan3A_23 iter_args(%scan3A_27 = %scan3A_19) -> (i32)  : i32 {
      %add3A_28 = arith.constant 8 : i32
      %add3A_29 = arith.addi %scan3A_26, %add3A_28 : i32
      %sub3A = arith.constant 1 : i32
      %sub3A_30 = arith.subi %add3A_29, %sub3A : i32
      %lt3A = arith.constant 32 : i32
      %lt3A_31 = arith.cmpi slt, %sub3A_30, %lt3A : i32
      %convert_element_type3A = arith.extui %lt3A_31 : i1 to i32
      %cond3A = arith.constant 0 : i32
      %cond3A_32 = arith.cmpi ne, %convert_element_type3A, %cond3A : i32
      scf.if %cond3A_32 {
        %add3A_86 = arith.constant 8 : i32
        %add3A_87 = arith.addi %scan3A_26, %add3A_86 : i32
        %sub3A_88 = arith.constant 1 : i32
        %sub3A_89 = arith.subi %add3A_87, %sub3A_88 : i32
        %rem3A_90 = arith.constant 8 : i32
        %rem3A_91 = arith.remsi %sub3A_89, %rem3A_90 : i32
        %mul3A_92 = arith.constant 16 : i32
        %mul3A_93 = arith.muli %sub3A_89, %mul3A_92 : i32
        %mul3A_94 = arith.constant 16 : i32
        %mul3A_95 = arith.muli %rem3A_91, %mul3A_94 : i32
        %dma_start3A_96 = arith.constant 0 : i32
        %dma_start3A_97 = tpu.memref_slice %arg12[%mul3A_95, %dma_start3A_96] : memref<128x128xf32, #tpu.memory_space<vmem>> -> memref<16x128xf32, #tpu.memory_space<vmem>>
        %dma_start3A_98 = tpu.memref_slice %arg9[%mul3A_93] : memref<512xi32, #tpu.memory_space<vmem>> -> memref<16xi32, #tpu.memory_space<vmem>>
        %dma_start3A_99 = arith.constant 0 : i32
        %dma_start3A_100 = arith.constant 0 : i32
        %dma_start3A_101 = tpu.memref_slice %arg5[%dma_start3A_99, %dma_start3A_100] : memref<100000x128xf32, #tpu.memory_space<hbm>> -> memref<100000x128xf32, #tpu.memory_space<hbm>>
        %dma_start3A_102 = tpu.memref_slice %arg18[%rem3A_91] : memref<8x!tpu.dma_semaphore, #tpu.memory_space<semaphore_mem>> -> memref<1x!tpu.dma_semaphore, #tpu.memory_space<semaphore_mem>>
        %dma_start3A_103 = tpu.memref_squeeze %dma_start3A_102 : memref<1x!tpu.dma_semaphore, #tpu.memory_space<semaphore_mem>> -> memref<!tpu.dma_semaphore, #tpu.memory_space<semaphore_mem>>
        tpu.enqueue_indirect_dma source(%dma_start3A_101 : memref<100000x128xf32, #tpu.memory_space<hbm>>) target(%dma_start3A_97 : memref<16x128xf32, #tpu.memory_space<vmem>>) offsets(%dma_start3A_98 : memref<16xi32, #tpu.memory_space<vmem>>) semaphore(%dma_start3A_103 : memref<!tpu.dma_semaphore, #tpu.memory_space<semaphore_mem>>)
        %dma_start3A_104 = arith.constant 0 : i32
        %dma_start3A_105 = tpu.memref_slice %arg13[%mul3A_95, %dma_start3A_104] : memref<128x128xf32, #tpu.memory_space<vmem>> -> memref<16x128xf32, #tpu.memory_space<vmem>>
        %dma_start3A_106 = tpu.memref_slice %arg10[%mul3A_93] : memref<512xi32, #tpu.memory_space<vmem>> -> memref<16xi32, #tpu.memory_space<vmem>>
        %dma_start3A_107 = arith.constant 0 : i32
        %dma_start3A_108 = arith.constant 0 : i32
        %dma_start3A_109 = tpu.memref_slice %arg6[%dma_start3A_107, %dma_start3A_108] : memref<1000000x128xf32, #tpu.memory_space<hbm>> -> memref<1000000x128xf32, #tpu.memory_space<hbm>>
        %dma_start3A_110 = tpu.memref_slice %arg18[%rem3A_91] : memref<8x!tpu.dma_semaphore, #tpu.memory_space<semaphore_mem>> -> memref<1x!tpu.dma_semaphore, #tpu.memory_space<semaphore_mem>>
        %dma_start3A_111 = tpu.memref_squeeze %dma_start3A_110 : memref<1x!tpu.dma_semaphore, #tpu.memory_space<semaphore_mem>> -> memref<!tpu.dma_semaphore, #tpu.memory_space<semaphore_mem>>
        tpu.enqueue_indirect_dma source(%dma_start3A_109 : memref<1000000x128xf32, #tpu.memory_space<hbm>>) target(%dma_start3A_105 : memref<16x128xf32, #tpu.memory_space<vmem>>) offsets(%dma_start3A_106 : memref<16xi32, #tpu.memory_space<vmem>>) semaphore(%dma_start3A_111 : memref<!tpu.dma_semaphore, #tpu.memory_space<semaphore_mem>>)
        %dma_start3A_112 = arith.constant 0 : i32
        %dma_start3A_113 = tpu.memref_slice %arg14[%mul3A_95, %dma_start3A_112] : memref<128x128xf32, #tpu.memory_space<vmem>> -> memref<16x128xf32, #tpu.memory_space<vmem>>
        %dma_start3A_114 = tpu.memref_slice %arg11[%mul3A_93] : memref<512xi32, #tpu.memory_space<vmem>> -> memref<16xi32, #tpu.memory_space<vmem>>
        %dma_start3A_115 = arith.constant 0 : i32
        %dma_start3A_116 = arith.constant 0 : i32
        %dma_start3A_117 = tpu.memref_slice %arg6[%dma_start3A_115, %dma_start3A_116] : memref<1000000x128xf32, #tpu.memory_space<hbm>> -> memref<1000000x128xf32, #tpu.memory_space<hbm>>
        %dma_start3A_118 = tpu.memref_slice %arg18[%rem3A_91] : memref<8x!tpu.dma_semaphore, #tpu.memory_space<semaphore_mem>> -> memref<1x!tpu.dma_semaphore, #tpu.memory_space<semaphore_mem>>
        %dma_start3A_119 = tpu.memref_squeeze %dma_start3A_118 : memref<1x!tpu.dma_semaphore, #tpu.memory_space<semaphore_mem>> -> memref<!tpu.dma_semaphore, #tpu.memory_space<semaphore_mem>>
        tpu.enqueue_indirect_dma source(%dma_start3A_117 : memref<1000000x128xf32, #tpu.memory_space<hbm>>) target(%dma_start3A_113 : memref<16x128xf32, #tpu.memory_space<vmem>>) offsets(%dma_start3A_114 : memref<16xi32, #tpu.memory_space<vmem>>) semaphore(%dma_start3A_119 : memref<!tpu.dma_semaphore, #tpu.memory_space<semaphore_mem>>)
      } else {
      }
      %rem3A = arith.constant 8 : i32
      %rem3A_33 = arith.remsi %scan3A_26, %rem3A : i32
      %mul3A_34 = arith.constant 16 : i32
      %mul3A_35 = arith.muli %rem3A_33, %mul3A_34 : i32
      %dma_wait3A_36 = arith.constant 0 : i32
      %dma_wait3A_37 = tpu.memref_slice %arg12[%mul3A_35, %dma_wait3A_36] : memref<128x128xf32, #tpu.memory_space<vmem>> -> memref<16x128xf32, #tpu.memory_space<vmem>>
      %dma_wait3A_38 = arith.constant 0 : i32
      %dma_wait3A_39 = tpu.memref_slice %arg9[%dma_wait3A_38] : memref<512xi32, #tpu.memory_space<vmem>> -> memref<16xi32, #tpu.memory_space<vmem>>
      %dma_wait3A_40 = arith.constant 0 : i32
      %dma_wait3A_41 = arith.constant 0 : i32
      %dma_wait3A_42 = tpu.memref_slice %arg5[%dma_wait3A_40, %dma_wait3A_41] : memref<100000x128xf32, #tpu.memory_space<hbm>> -> memref<100000x128xf32, #tpu.memory_space<hbm>>
      %dma_wait3A_43 = tpu.memref_slice %arg18[%rem3A_33] : memref<8x!tpu.dma_semaphore, #tpu.memory_space<semaphore_mem>> -> memref<1x!tpu.dma_semaphore, #tpu.memory_space<semaphore_mem>>
      %dma_wait3A_44 = tpu.memref_squeeze %dma_wait3A_43 : memref<1x!tpu.dma_semaphore, #tpu.memory_space<semaphore_mem>> -> memref<!tpu.dma_semaphore, #tpu.memory_space<semaphore_mem>>
      tpu.wait_indirect_dma semaphore(%dma_wait3A_44 : memref<!tpu.dma_semaphore, #tpu.memory_space<semaphore_mem>>) src(%dma_wait3A_42 : memref<100000x128xf32, #tpu.memory_space<hbm>>) dst(%dma_wait3A_37 : memref<16x128xf32, #tpu.memory_space<vmem>>)
      %dma_wait3A_45 = arith.constant 0 : i32
      %dma_wait3A_46 = tpu.memref_slice %arg13[%mul3A_35, %dma_wait3A_45] : memref<128x128xf32, #tpu.memory_space<vmem>> -> memref<16x128xf32, #tpu.memory_space<vmem>>
      %dma_wait3A_47 = arith.constant 0 : i32
      %dma_wait3A_48 = tpu.memref_slice %arg10[%dma_wait3A_47] : memref<512xi32, #tpu.memory_space<vmem>> -> memref<16xi32, #tpu.memory_space<vmem>>
      %dma_wait3A_49 = arith.constant 0 : i32
      %dma_wait3A_50 = arith.constant 0 : i32
      %dma_wait3A_51 = tpu.memref_slice %arg6[%dma_wait3A_49, %dma_wait3A_50] : memref<1000000x128xf32, #tpu.memory_space<hbm>> -> memref<1000000x128xf32, #tpu.memory_space<hbm>>
      %dma_wait3A_52 = tpu.memref_slice %arg18[%rem3A_33] : memref<8x!tpu.dma_semaphore, #tpu.memory_space<semaphore_mem>> -> memref<1x!tpu.dma_semaphore, #tpu.memory_space<semaphore_mem>>
      %dma_wait3A_53 = tpu.memref_squeeze %dma_wait3A_52 : memref<1x!tpu.dma_semaphore, #tpu.memory_space<semaphore_mem>> -> memref<!tpu.dma_semaphore, #tpu.memory_space<semaphore_mem>>
      tpu.wait_indirect_dma semaphore(%dma_wait3A_53 : memref<!tpu.dma_semaphore, #tpu.memory_space<semaphore_mem>>) src(%dma_wait3A_51 : memref<1000000x128xf32, #tpu.memory_space<hbm>>) dst(%dma_wait3A_46 : memref<16x128xf32, #tpu.memory_space<vmem>>)
      %dma_wait3A_54 = arith.constant 0 : i32
      %dma_wait3A_55 = tpu.memref_slice %arg14[%mul3A_35, %dma_wait3A_54] : memref<128x128xf32, #tpu.memory_space<vmem>> -> memref<16x128xf32, #tpu.memory_space<vmem>>
      %dma_wait3A_56 = arith.constant 0 : i32
      %dma_wait3A_57 = tpu.memref_slice %arg11[%dma_wait3A_56] : memref<512xi32, #tpu.memory_space<vmem>> -> memref<16xi32, #tpu.memory_space<vmem>>
      %dma_wait3A_58 = arith.constant 0 : i32
      %dma_wait3A_59 = arith.constant 0 : i32
      %dma_wait3A_60 = tpu.memref_slice %arg6[%dma_wait3A_58, %dma_wait3A_59] : memref<1000000x128xf32, #tpu.memory_space<hbm>> -> memref<1000000x128xf32, #tpu.memory_space<hbm>>
      %dma_wait3A_61 = tpu.memref_slice %arg18[%rem3A_33] : memref<8x!tpu.dma_semaphore, #tpu.memory_space<semaphore_mem>> -> memref<1x!tpu.dma_semaphore, #tpu.memory_space<semaphore_mem>>
      %dma_wait3A_62 = tpu.memref_squeeze %dma_wait3A_61 : memref<1x!tpu.dma_semaphore, #tpu.memory_space<semaphore_mem>> -> memref<!tpu.dma_semaphore, #tpu.memory_space<semaphore_mem>>
      tpu.wait_indirect_dma semaphore(%dma_wait3A_62 : memref<!tpu.dma_semaphore, #tpu.memory_space<semaphore_mem>>) src(%dma_wait3A_60 : memref<1000000x128xf32, #tpu.memory_space<hbm>>) dst(%dma_wait3A_55 : memref<16x128xf32, #tpu.memory_space<vmem>>)
      %rem3A_63 = arith.constant 8 : i32
      %rem3A_64 = arith.remsi %scan3A_26, %rem3A_63 : i32
      %mul3A_65 = arith.constant 16 : i32
      %mul3A_66 = arith.muli %rem3A_64, %mul3A_65 : i32
      %broadcast_in_dim3A = arith.constant 0.000000e+00 : f32
      %broadcast_in_dim3A_67 = vector.broadcast %broadcast_in_dim3A : f32 to vector<16xf32>
      %broadcast_in_dim3A_68 = arith.constant 0.000000e+00 : f32
      %broadcast_in_dim3A_69 = vector.broadcast %broadcast_in_dim3A_68 : f32 to vector<16xf32>
      %scan3A_70 = arith.constant 0 : i32
      %scan3A_71 = arith.constant 16 : i32
      %scan3A_72 = arith.addi %scan3A_70, %scan3A_71 : i32
      %scan3A_73 = arith.constant 1 : i32
      %scan3A_74:2 = scf.for %scan3A_86 = %scan3A_70 to %scan3A_72 step %scan3A_73 iter_args(%scan3A_87 = %broadcast_in_dim3A_67, %scan3A_88 = %broadcast_in_dim3A_69) -> (vector<16xf32>, vector<16xf32>)  : i32 {
        %add3A_89 = arith.addi %mul3A_66, %scan3A_86 : i32
        %broadcast_in_dim3A_90 = arith.constant 0.000000e+00 : f32
        %broadcast_in_dim3A_91 = vector.broadcast %broadcast_in_dim3A_90 : f32 to vector<16xf32>
        %broadcast_in_dim3A_92 = arith.constant 0.000000e+00 : f32
        %broadcast_in_dim3A_93 = vector.broadcast %broadcast_in_dim3A_92 : f32 to vector<16xf32>
        %get3A = arith.index_cast %add3A_89 : i32 to index
        %get3A_94 = arith.constant 0 : index
        %get3A_95 = tpu.vector_load %arg12[%get3A, %get3A_94] {strides = array<i32>} : memref<128x128xf32, #tpu.memory_space<vmem>>, vector<1x16xf32>,
        %get3A_96 = vector.shape_cast %get3A_95 : vector<1x16xf32> to vector<16xf32>
        %get3A_97 = arith.index_cast %add3A_89 : i32 to index
        %get3A_98 = arith.constant 0 : index
        %get3A_99 = tpu.vector_load %arg13[%get3A_97, %get3A_98] {strides = array<i32>} : memref<128x128xf32, #tpu.memory_space<vmem>>, vector<1x16xf32>,
        %get3A_100 = vector.shape_cast %get3A_99 : vector<1x16xf32> to vector<16xf32>
        %mul3A_101 = arith.mulf %get3A_96, %get3A_100 : vector<16xf32>
        %add3A_102 = arith.addf %broadcast_in_dim3A_91, %mul3A_101 : vector<16xf32>
        %get3A_103 = arith.index_cast %add3A_89 : i32 to index
        %get3A_104 = arith.constant 0 : index
        %get3A_105 = tpu.vector_load %arg14[%get3A_103, %get3A_104] {strides = array<i32>} : memref<128x128xf32, #tpu.memory_space<vmem>>, vector<1x16xf32>,
        %get3A_106 = vector.shape_cast %get3A_105 : vector<1x16xf32> to vector<16xf32>
        %mul3A_107 = arith.mulf %get3A_96, %get3A_106 : vector<16xf32>
        %add3A_108 = arith.addf %broadcast_in_dim3A_93, %mul3A_107 : vector<16xf32>
        %get3A_109 = arith.index_cast %add3A_89 : i32 to index
        %get3A_110 = arith.constant 16 : index
        %get3A_111 = tpu.vector_load %arg12[%get3A_109, %get3A_110] {strides = array<i32>} : memref<128x128xf32, #tpu.memory_space<vmem>>, vector<1x16xf32>,
        %get3A_112 = vector.shape_cast %get3A_111 : vector<1x16xf32> to vector<16xf32>
        %get3A_113 = arith.index_cast %add3A_89 : i32 to index
        %get3A_114 = arith.constant 16 : index
        %get3A_115 = tpu.vector_load %arg13[%get3A_113, %get3A_114] {strides = array<i32>} : memref<128x128xf32, #tpu.memory_space<vmem>>, vector<1x16xf32>,
        %get3A_116 = vector.shape_cast %get3A_115 : vector<1x16xf32> to vector<16xf32>
        %mul3A_117 = arith.mulf %get3A_112, %get3A_116 : vector<16xf32>
        %add3A_118 = arith.addf %add3A_102, %mul3A_117 : vector<16xf32>
        %get3A_119 = arith.index_cast %add3A_89 : i32 to index
        %get3A_120 = arith.constant 16 : index
        %get3A_121 = tpu.vector_load %arg14[%get3A_119, %get3A_120] {strides = array<i32>} : memref<128x128xf32, #tpu.memory_space<vmem>>, vector<1x16xf32>,
        %get3A_122 = vector.shape_cast %get3A_121 : vector<1x16xf32> to vector<16xf32>
        %mul3A_123 = arith.mulf %get3A_112, %get3A_122 : vector<16xf32>
        %add3A_124 = arith.addf %add3A_108, %mul3A_123 : vector<16xf32>
        %get3A_125 = arith.index_cast %add3A_89 : i32 to index
        %get3A_126 = arith.constant 32 : index
        %get3A_127 = tpu.vector_load %arg12[%get3A_125, %get3A_126] {strides = array<i32>} : memref<128x128xf32, #tpu.memory_space<vmem>>, vector<1x16xf32>,
        %get3A_128 = vector.shape_cast %get3A_127 : vector<1x16xf32> to vector<16xf32>
        %get3A_129 = arith.index_cast %add3A_89 : i32 to index
        %get3A_130 = arith.constant 32 : index
        %get3A_131 = tpu.vector_load %arg13[%get3A_129, %get3A_130] {strides = array<i32>} : memref<128x128xf32, #tpu.memory_space<vmem>>, vector<1x16xf32>,
        %get3A_132 = vector.shape_cast %get3A_131 : vector<1x16xf32> to vector<16xf32>
        %mul3A_133 = arith.mulf %get3A_128, %get3A_132 : vector<16xf32>
        %add3A_134 = arith.addf %add3A_118, %mul3A_133 : vector<16xf32>
        %get3A_135 = arith.index_cast %add3A_89 : i32 to index
        %get3A_136 = arith.constant 32 : index
        %get3A_137 = tpu.vector_load %arg14[%get3A_135, %get3A_136] {strides = array<i32>} : memref<128x128xf32, #tpu.memory_space<vmem>>, vector<1x16xf32>,
        %get3A_138 = vector.shape_cast %get3A_137 : vector<1x16xf32> to vector<16xf32>
        %mul3A_139 = arith.mulf %get3A_128, %get3A_138 : vector<16xf32>
        %add3A_140 = arith.addf %add3A_124, %mul3A_139 : vector<16xf32>
        %get3A_141 = arith.index_cast %add3A_89 : i32 to index
        %get3A_142 = arith.constant 48 : index
        %get3A_143 = tpu.vector_load %arg12[%get3A_141, %get3A_142] {strides = array<i32>} : memref<128x128xf32, #tpu.memory_space<vmem>>, vector<1x16xf32>,
        %get3A_144 = vector.shape_cast %get3A_143 : vector<1x16xf32> to vector<16xf32>
        %get3A_145 = arith.index_cast %add3A_89 : i32 to index
        %get3A_146 = arith.constant 48 : index
        %get3A_147 = tpu.vector_load %arg13[%get3A_145, %get3A_146] {strides = array<i32>} : memref<128x128xf32, #tpu.memory_space<vmem>>, vector<1x16xf32>,
        %get3A_148 = vector.shape_cast %get3A_147 : vector<1x16xf32> to vector<16xf32>
        %mul3A_149 = arith.mulf %get3A_144, %get3A_148 : vector<16xf32>
        %add3A_150 = arith.addf %add3A_134, %mul3A_149 : vector<16xf32>
        %get3A_151 = arith.index_cast %add3A_89 : i32 to index
        %get3A_152 = arith.constant 48 : index
        %get3A_153 = tpu.vector_load %arg14[%get3A_151, %get3A_152] {strides = array<i32>} : memref<128x128xf32, #tpu.memory_space<vmem>>, vector<1x16xf32>,
        %get3A_154 = vector.shape_cast %get3A_153 : vector<1x16xf32> to vector<16xf32>
        %mul3A_155 = arith.mulf %get3A_144, %get3A_154 : vector<16xf32>
        %add3A_156 = arith.addf %add3A_140, %mul3A_155 : vector<16xf32>
        %get3A_157 = arith.index_cast %add3A_89 : i32 to index
        %get3A_158 = arith.constant 64 : index
        %get3A_159 = tpu.vector_load %arg12[%get3A_157, %get3A_158] {strides = array<i32>} : memref<128x128xf32, #tpu.memory_space<vmem>>, vector<1x16xf32>,
        %get3A_160 = vector.shape_cast %get3A_159 : vector<1x16xf32> to vector<16xf32>
        %get3A_161 = arith.index_cast %add3A_89 : i32 to index
        %get3A_162 = arith.constant 64 : index
        %get3A_163 = tpu.vector_load %arg13[%get3A_161, %get3A_162] {strides = array<i32>} : memref<128x128xf32, #tpu.memory_space<vmem>>, vector<1x16xf32>,
        %get3A_164 = vector.shape_cast %get3A_163 : vector<1x16xf32> to vector<16xf32>
        %mul3A_165 = arith.mulf %get3A_160, %get3A_164 : vector<16xf32>
        %add3A_166 = arith.addf %add3A_150, %mul3A_165 : vector<16xf32>
        %get3A_167 = arith.index_cast %add3A_89 : i32 to index
        %get3A_168 = arith.constant 64 : index
        %get3A_169 = tpu.vector_load %arg14[%get3A_167, %get3A_168] {strides = array<i32>} : memref<128x128xf32, #tpu.memory_space<vmem>>, vector<1x16xf32>,
        %get3A_170 = vector.shape_cast %get3A_169 : vector<1x16xf32> to vector<16xf32>
        %mul3A_171 = arith.mulf %get3A_160, %get3A_170 : vector<16xf32>
        %add3A_172 = arith.addf %add3A_156, %mul3A_171 : vector<16xf32>
        %get3A_173 = arith.index_cast %add3A_89 : i32 to index
        %get3A_174 = arith.constant 80 : index
        %get3A_175 = tpu.vector_load %arg12[%get3A_173, %get3A_174] {strides = array<i32>} : memref<128x128xf32, #tpu.memory_space<vmem>>, vector<1x16xf32>,
        %get3A_176 = vector.shape_cast %get3A_175 : vector<1x16xf32> to vector<16xf32>
        %get3A_177 = arith.index_cast %add3A_89 : i32 to index
        %get3A_178 = arith.constant 80 : index
        %get3A_179 = tpu.vector_load %arg13[%get3A_177, %get3A_178] {strides = array<i32>} : memref<128x128xf32, #tpu.memory_space<vmem>>, vector<1x16xf32>,
        %get3A_180 = vector.shape_cast %get3A_179 : vector<1x16xf32> to vector<16xf32>
        %mul3A_181 = arith.mulf %get3A_176, %get3A_180 : vector<16xf32>
        %add3A_182 = arith.addf %add3A_166, %mul3A_181 : vector<16xf32>
        %get3A_183 = arith.index_cast %add3A_89 : i32 to index
        %get3A_184 = arith.constant 80 : index
        %get3A_185 = tpu.vector_load %arg14[%get3A_183, %get3A_184] {strides = array<i32>} : memref<128x128xf32, #tpu.memory_space<vmem>>, vector<1x16xf32>,
        %get3A_186 = vector.shape_cast %get3A_185 : vector<1x16xf32> to vector<16xf32>
        %mul3A_187 = arith.mulf %get3A_176, %get3A_186 : vector<16xf32>
        %add3A_188 = arith.addf %add3A_172, %mul3A_187 : vector<16xf32>
        %get3A_189 = arith.index_cast %add3A_89 : i32 to index
        %get3A_190 = arith.constant 96 : index
        %get3A_191 = tpu.vector_load %arg12[%get3A_189, %get3A_190] {strides = array<i32>} : memref<128x128xf32, #tpu.memory_space<vmem>>, vector<1x16xf32>,
        %get3A_192 = vector.shape_cast %get3A_191 : vector<1x16xf32> to vector<16xf32>
        %get3A_193 = arith.index_cast %add3A_89 : i32 to index
        %get3A_194 = arith.constant 96 : index
        %get3A_195 = tpu.vector_load %arg13[%get3A_193, %get3A_194] {strides = array<i32>} : memref<128x128xf32, #tpu.memory_space<vmem>>, vector<1x16xf32>,
        %get3A_196 = vector.shape_cast %get3A_195 : vector<1x16xf32> to vector<16xf32>
        %mul3A_197 = arith.mulf %get3A_192, %get3A_196 : vector<16xf32>
        %add3A_198 = arith.addf %add3A_182, %mul3A_197 : vector<16xf32>
        %get3A_199 = arith.index_cast %add3A_89 : i32 to index
        %get3A_200 = arith.constant 96 : index
        %get3A_201 = tpu.vector_load %arg14[%get3A_199, %get3A_200] {strides = array<i32>} : memref<128x128xf32, #tpu.memory_space<vmem>>, vector<1x16xf32>,
        %get3A_202 = vector.shape_cast %get3A_201 : vector<1x16xf32> to vector<16xf32>
        %mul3A_203 = arith.mulf %get3A_192, %get3A_202 : vector<16xf32>
        %add3A_204 = arith.addf %add3A_188, %mul3A_203 : vector<16xf32>
        %get3A_205 = arith.index_cast %add3A_89 : i32 to index
        %get3A_206 = arith.constant 112 : index
        %get3A_207 = tpu.vector_load %arg12[%get3A_205, %get3A_206] {strides = array<i32>} : memref<128x128xf32, #tpu.memory_space<vmem>>, vector<1x16xf32>,
        %get3A_208 = vector.shape_cast %get3A_207 : vector<1x16xf32> to vector<16xf32>
        %get3A_209 = arith.index_cast %add3A_89 : i32 to index
        %get3A_210 = arith.constant 112 : index
        %get3A_211 = tpu.vector_load %arg13[%get3A_209, %get3A_210] {strides = array<i32>} : memref<128x128xf32, #tpu.memory_space<vmem>>, vector<1x16xf32>,
        %get3A_212 = vector.shape_cast %get3A_211 : vector<1x16xf32> to vector<16xf32>
        %mul3A_213 = arith.mulf %get3A_208, %get3A_212 : vector<16xf32>
        %add3A_214 = arith.addf %add3A_198, %mul3A_213 : vector<16xf32>
        %get3A_215 = arith.index_cast %add3A_89 : i32 to index
        %get3A_216 = arith.constant 112 : index
        %get3A_217 = tpu.vector_load %arg14[%get3A_215, %get3A_216] {strides = array<i32>} : memref<128x128xf32, #tpu.memory_space<vmem>>, vector<1x16xf32>,
        %get3A_218 = vector.shape_cast %get3A_217 : vector<1x16xf32> to vector<16xf32>
        %mul3A_219 = arith.mulf %get3A_208, %get3A_218 : vector<16xf32>
        %add3A_220 = arith.addf %add3A_204, %mul3A_219 : vector<16xf32>
        %eq3A = vector.broadcast %scan3A_86 : i32 to vector<16xi32>
        %eq3A_221 = arith.cmpi eq, %iota3A, %eq3A : vector<16xi32>
        %slice3A = vector.extract_strided_slice %add3A_214 {offsets = [0], sizes = [8], strides = [1]} : vector<16xf32> to vector<8xf32>
        %slice3A_222 = vector.extract_strided_slice %add3A_214 {offsets = [8], sizes = [8], strides = [1]} : vector<16xf32> to vector<8xf32>
        %add3A_223 = arith.addf %slice3A, %slice3A_222 : vector<8xf32>
        %slice3A_224 = vector.extract_strided_slice %add3A_223 {offsets = [0], sizes = [4], strides = [1]} : vector<8xf32> to vector<4xf32>
        %slice3A_225 = vector.extract_strided_slice %add3A_223 {offsets = [4], sizes = [4], strides = [1]} : vector<8xf32> to vector<4xf32>
        %add3A_226 = arith.addf %slice3A_224, %slice3A_225 : vector<4xf32>
        %slice3A_227 = vector.extract_strided_slice %add3A_226 {offsets = [0], sizes = [2], strides = [1]} : vector<4xf32> to vector<2xf32>
        %slice3A_228 = vector.extract_strided_slice %add3A_226 {offsets = [2], sizes = [2], strides = [1]} : vector<4xf32> to vector<2xf32>
        %add3A_229 = arith.addf %slice3A_227, %slice3A_228 : vector<2xf32>
        %slice3A_230 = vector.extract_strided_slice %add3A_229 {offsets = [0], sizes = [1], strides = [1]} : vector<2xf32> to vector<1xf32>
        %slice3A_231 = vector.extract_strided_slice %add3A_229 {offsets = [1], sizes = [1], strides = [1]} : vector<2xf32> to vector<1xf32>
        %add3A_232 = arith.addf %slice3A_230, %slice3A_231 : vector<1xf32>
        %reshape3A = vector.extract %add3A_232[0] : f32 from vector<1xf32>
        %broadcast_in_dim3A_233 = vector.broadcast %reshape3A : f32 to vector<16xf32>
        %select_n3A = arith.select %eq3A_221, %broadcast_in_dim3A_233, %scan3A_87 : vector<16xi1>, vector<16xf32>
        %slice3A_234 = vector.extract_strided_slice %add3A_220 {offsets = [0], sizes = [8], strides = [1]} : vector<16xf32> to vector<8xf32>
        %slice3A_235 = vector.extract_strided_slice %add3A_220 {offsets = [8], sizes = [8], strides = [1]} : vector<16xf32> to vector<8xf32>
        %add3A_236 = arith.addf %slice3A_234, %slice3A_235 : vector<8xf32>
        %slice3A_237 = vector.extract_strided_slice %add3A_236 {offsets = [0], sizes = [4], strides = [1]} : vector<8xf32> to vector<4xf32>
        %slice3A_238 = vector.extract_strided_slice %add3A_236 {offsets = [4], sizes = [4], strides = [1]} : vector<8xf32> to vector<4xf32>
        %add3A_239 = arith.addf %slice3A_237, %slice3A_238 : vector<4xf32>
        %slice3A_240 = vector.extract_strided_slice %add3A_239 {offsets = [0], sizes = [2], strides = [1]} : vector<4xf32> to vector<2xf32>
        %slice3A_241 = vector.extract_strided_slice %add3A_239 {offsets = [2], sizes = [2], strides = [1]} : vector<4xf32> to vector<2xf32>
        %add3A_242 = arith.addf %slice3A_240, %slice3A_241 : vector<2xf32>
        %slice3A_243 = vector.extract_strided_slice %add3A_242 {offsets = [0], sizes = [1], strides = [1]} : vector<2xf32> to vector<1xf32>
        %slice3A_244 = vector.extract_strided_slice %add3A_242 {offsets = [1], sizes = [1], strides = [1]} : vector<2xf32> to vector<1xf32>
        %add3A_245 = arith.addf %slice3A_243, %slice3A_244 : vector<1xf32>
        %reshape3A_246 = vector.extract %add3A_245[0] : f32 from vector<1xf32>
        %broadcast_in_dim3A_247 = vector.broadcast %reshape3A_246 : f32 to vector<16xf32>
        %select_n3A_248 = arith.select %eq3A_221, %broadcast_in_dim3A_247, %scan3A_88 : vector<16xi1>, vector<16xf32>
        scf.yield %select_n3A, %select_n3A_248 : vector<16xf32>, vector<16xf32>
      }
      %scan3A_75 = arith.constant 16 : i32
      %mul3A_76 = arith.constant 16 : i32
      %mul3A_77 = arith.muli %scan3A_26, %mul3A_76 : i32
      %swap3A = arith.index_cast %mul3A_77 : i32 to index
      %swap3A_78 = tpu.vector_load %arg15[%swap3A] {strides = array<i32>} : memref<512xf32, #tpu.memory_space<vmem>>, vector<16xf32>,
      %swap3A_79 = vector.shape_cast %swap3A_78 : vector<16xf32> to vector<16xf32>
      %swap3A_80 = vector.shape_cast %scan3A_74#0 : vector<16xf32> to vector<16xf32>
      tpu.vector_store %arg15[%swap3A], %swap3A_80 {strides = array<i32>} : memref<512xf32, #tpu.memory_space<vmem>>, vector<16xf32>,
      %swap3A_81 = arith.index_cast %mul3A_77 : i32 to index
      %swap3A_82 = tpu.vector_load %arg16[%swap3A_81] {strides = array<i32>} : memref<512xf32, #tpu.memory_space<vmem>>, vector<16xf32>,
      %swap3A_83 = vector.shape_cast %swap3A_82 : vector<16xf32> to vector<16xf32>
      %swap3A_84 = vector.shape_cast %scan3A_74#1 : vector<16xf32> to vector<16xf32>
      tpu.vector_store %arg16[%swap3A_81], %swap3A_84 {strides = array<i32>} : memref<512xf32, #tpu.memory_space<vmem>>, vector<16xf32>,
      %scan3A_85 = arith.constant 0 : i32
      scf.yield %scan3A_85 : i32
    }
    %scan3A_25 = arith.constant 32 : i32
    "tpu.region"() ({
      %run_scoped3A = tpu.sem_alloc : memref<!tpu.dma_semaphore, #tpu.memory_space<semaphore_mem>>
      %dma_start3A_26 = tpu.memref_slice %arg7[%mul3A_2] : memref<16384xf32, #tpu.memory_space<hbm>> -> memref<512xf32, #tpu.memory_space<hbm>>
      %dma_start3A_27 = tpu.memref_slice %arg7[%mul3A_2] : memref<16384xf32, #tpu.memory_space<hbm>> -> memref<512xf32, #tpu.memory_space<hbm>>
      tpu.enqueue_dma source(%arg15 : memref<512xf32, #tpu.memory_space<vmem>>) target(%dma_start3A_27 : memref<512xf32, #tpu.memory_space<hbm>>) target_semaphore(%run_scoped3A : memref<!tpu.dma_semaphore, #tpu.memory_space<semaphore_mem>>)
      %dma_wait3A_28 = tpu.memref_slice %arg7[%mul3A_2] : memref<16384xf32, #tpu.memory_space<hbm>> -> memref<512xf32, #tpu.memory_space<hbm>>
      %dma_wait3A_29 = tpu.memref_slice %arg7[%mul3A_2] : memref<16384xf32, #tpu.memory_space<hbm>> -> memref<512xf32, #tpu.memory_space<hbm>>
      tpu.wait_dma2 semaphore(%run_scoped3A : memref<!tpu.dma_semaphore, #tpu.memory_space<semaphore_mem>>) src(%arg15 : memref<512xf32, #tpu.memory_space<vmem>>) dst(%dma_wait3A_29 : memref<512xf32, #tpu.memory_space<hbm>>)
      tpu.yield
    }) : () -> ()
    "tpu.region"() ({
      %run_scoped3A = tpu.sem_alloc : memref<!tpu.dma_semaphore, #tpu.memory_space<semaphore_mem>>
      %dma_start3A_26 = tpu.memref_slice %arg8[%mul3A_2] : memref<16384xf32, #tpu.memory_space<hbm>> -> memref<512xf32, #tpu.memory_space<hbm>>
      %dma_start3A_27 = tpu.memref_slice %arg8[%mul3A_2] : memref<16384xf32, #tpu.memory_space<hbm>> -> memref<512xf32, #tpu.memory_space<hbm>>
      tpu.enqueue_dma source(%arg16 : memref<512xf32, #tpu.memory_space<vmem>>) target(%dma_start3A_27 : memref<512xf32, #tpu.memory_space<hbm>>) target_semaphore(%run_scoped3A : memref<!tpu.dma_semaphore, #tpu.memory_space<semaphore_mem>>)
      %dma_wait3A_28 = tpu.memref_slice %arg8[%mul3A_2] : memref<16384xf32, #tpu.memory_space<hbm>> -> memref<512xf32, #tpu.memory_space<hbm>>
      %dma_wait3A_29 = tpu.memref_slice %arg8[%mul3A_2] : memref<16384xf32, #tpu.memory_space<hbm>> -> memref<512xf32, #tpu.memory_space<hbm>>
      tpu.wait_dma2 semaphore(%run_scoped3A : memref<!tpu.dma_semaphore, #tpu.memory_space<semaphore_mem>>) src(%arg16 : memref<512xf32, #tpu.memory_space<vmem>>) dst(%dma_wait3A_29 : memref<512xf32, #tpu.memory_space<hbm>>)
      tpu.yield
    }) : () -> ()
    return
  }
}

</mosaic_0001>

<sc_bundles>
// kernel: kernel.3.cloned.1.call-start
scs
__scs_entry_jumppad:
0x0: {  	(pc) =	sbr.rel $0x88, $3  }
0x1: {  	(tag) =	ssettag $0x0;
	lr =	simm.s32 $0x1  }
0x2: {  	[smem:$0x3F9C] =	sst lr;
	_ =	strace $0xD0000000  }
0x3: {  	_ = 	snop  }
0x4: {  	_ = 	snop  }
0x5: {  	_ = 	snop  }
0x6: {  	_ = 	snop  }
0x7: {  	_ = 	snop  }
__scs_overlays_trampoline_lowered:
0x8: {  	[smem:$0x3FAB] =	sst s0  }
0x9: {  	[smem:$0x3FAC] =	sst s1  }
0xa: {  	[smem:$0x3FAD] =	sst s2  }
0xb: {  	[smem:$0x3FAE] =	sst s3  }
0xc: {  	[smem:$0x3FAF] =	sst s4  }
0xd: {  	[smem:$0x3FB0] =	sst s5  }
0xe: {  	[smem:$0x3FB1] =	sst s6  }
0xf: {  	[smem:$0x3FB2] =	sst s7  }
0x10: {  	[smem:$0x3FB3] =	sst s8  }
0x11: {  	[smem:$0x3FB4] =	sst s9;
	s0 =	simm.s32 @!p0 $0x0  }
0x12: {  	s1 =	sld [smem:$0x3F9A];
	s0 =	simm.s32 @p0 $0x1  }
0x13: {  	[smem:$0x3FB5] =	sst s0;
	s0 =	simm.s32 @!p1 $0x0  }
0x14: {  	s2 =	sld [smem:$0x3F99];
	s0 =	simm.s32 @p1 $0x1  }
0x15: {  	[smem:$0x3FB6] =	sst s0;
	s0 =	simm.s32 @!p2 $0x0  }
0x16: {  	s3 =	sld [smem:$0x3FDB];
	s0 =	simm.s32 @p2 $0x1  }
0x17: {  	s4 =	simm.s32 $0x1BF5;
	[smem:$0x3FB8] =	sst s0  }
0x18: {  	s0 =	sld [smem:$0x3F9B];
	_ =	swait.ge [sflag:s4], $0x0  }
0x19: {  	s7 =	sld [smem:$0x3F9C]  }
0x1a: {  	s8 =	sadd.s32 $0xFFFFE003, lr  }
0x1b: {  	s9 =	sadd.s32 $0xFFFFFEF7, lr;
	s5 =	simm.s32 $0xFFFFFFFF;
	p2 =	slt.u32 s8, $0xFFFFF086  }
0x1c: {  	p1 =	slt.u32 s9, $0xF7A;
	s5 =	simm.s32 @!p2 $0x0  }
0x1d: {  	s5 =	simm.s32 @p1 $0x1;
	p0 =	seq.s32 s7, s2  }
0x1e: {  	s7 =	smul.u32 @!p0 $0xF7A, s2;
	p2 =	seq.s32 @!p0 s5, $0x0  }
0x1f: {  	s9 =	smul.u32 $0xF7A, s1;
	s8 =	simm.s32 @!p0 $0x1BF5;
	p2 =	por !p2, p0  }
0x20: {  	[sflag:s8] =	ssyncset.s32 @!p0 $0xFFFFF086;
	s6 =	sadd.s32 @!p0 s3, s7;
	s7 =	simm.s32 @!p0 $0x108  }
0x21: {  	s3 =	sadd.s32 s3, s9;
	s6 =	sadd.s32 @!p0 $0x88, s6;
	s7 =	simm.s32 @p2 $0x1082  }
0x22: {  	[simem:s7], [sflag:s8] =	dma.local @!p0 [hbm:s6], $0xF7A  }
0x23: {  	s9 =	sor.u32 $0xD0000000, s2;
	s6 =	simm.s32 $0x108;
	_ =	swait.ge @!p0 [sflag:s8], $0x0  }
0x24: {  	s3 =	sadd.s32 $0x88, s3;
	s6 =	simm.s32 @!p1 $0x1082;
	[sflag:s4] =	ssyncset.s32 $0xFFFFF086  }
0x25: {  	[simem:s6], [sflag:s4] =	dma.local [hbm:s3], $0xF7A  }
0x26: {  	[smem:$0x3F9C] =	sst s1;
	(tag) =	ssettag s2;
	_ =	strace s9  }
0x27: {  	s1 =	sld [smem:$0x3FAC]  }
0x28: {  	s2 =	sld [smem:$0x3FAD]  }
0x29: {  	s4 =	sld [smem:$0x3FAF]  }
0x2a: {  	p0 =	seq.s32 s5, $0x0;
	s5 =	sld [smem:$0x3FB0]  }
0x2b: {  	s6 =	sld [smem:$0x3FB1]  }
0x2c: {  	s7 =	sld [smem:$0x3FB2]  }
0x2d: {  	s3 =	simm.s32 $0x108;
	s8 =	sld [smem:$0x3FB3]  }
0x2e: {  	s3 =	simm.s32 @!p0 $0x1082;
	s9 =	sld [smem:$0x3FB4]  }
0x2f: {  	lr =	sadd.s32 s0, s3;
	s0 =	sld [smem:$0x3FAB]  }
0x30: {  	s3 =	sld [smem:$0x3FAE]  }
0x31: {  	[smem:$0x3FB7] =	sst s10  }
0x32: {  	s10 =	sld [smem:$0x3FB5];
	_ =	sdelay $0x3  }
0x33: {  	p0 =	seq.s32 s10, $0x1;
	s10 =	sld [smem:$0x3FB7];
	_ =	sdelay $0x3  }
0x34: {  	[smem:$0x3FB7] =	sst s10  }
0x35: {  	s10 =	sld [smem:$0x3FB6];
	_ =	sdelay $0x3  }
0x36: {  	p1 =	seq.s32 s10, $0x1;
	s10 =	sld [smem:$0x3FB7];
	_ =	sdelay $0x3  }
0x37: {  	[smem:$0x3FB7] =	sst s10  }
0x38: {  	s10 =	sld [smem:$0x3FB8]  }
0x39: {  	_ = 	snop;
	(pc) =	sbr.ind lr, $3  }
0x3a: {  	_ = 	snop  }
0x3b: {  	_ = 	snop  }
0x3c: {  	p2 =	seq.s32 s10, $0x1;
	s10 =	sld [smem:$0x3FB7]  }
0x3d: {  	_ =	shalt  }
0x3e: {  	_ =	shalt  }
0x3f: {  	_ =	shalt  }
0x40: {  	_ =	shalt  }
0x41: {  	_ =	shalt  }
0x42: {  	_ =	shalt  }
0x43: {  	_ =	shalt  }
0x44: {  	_ =	shalt  }
0x45: {  	_ =	shalt  }
0x46: {  	_ =	shalt  }
0x47: {  	_ =	shalt  }
0x48: {  	_ =	shalt  }
0x49: {  	_ =	shalt  }
0x4a: {  	_ =	shalt  }
0x4b: {  	_ =	shalt  }
0x4c: {  	_ =	shalt  }
0x4d: {  	_ =	shalt  }
0x4e: {  	_ =	shalt  }
0x4f: {  	_ =	shalt  }
0x50: {  	_ =	shalt  }
0x51: {  	_ =	shalt  }
0x52: {  	_ =	shalt  }
0x53: {  	_ =	shalt  }
0x54: {  	_ =	shalt  }
0x55: {  	_ =	shalt  }
0x56: {  	_ =	shalt  }
0x57: {  	_ =	shalt  }
0x58: {  	_ =	shalt  }
0x59: {  	_ =	shalt  }
0x5a: {  	_ =	shalt  }
0x5b: {  	_ =	shalt  }
0x5c: {  	_ =	shalt  }
0x5d: {  	_ =	shalt  }
0x5e: {  	_ =	shalt  }
0x5f: {  	_ =	shalt  }
0x60: {  	_ =	shalt  }
0x61: {  	_ =	shalt  }
0x62: {  	_ =	shalt  }
0x63: {  	_ =	shalt  }
0x64: {  	_ =	shalt  }
0x65: {  	_ =	shalt  }
0x66: {  	_ =	shalt  }
0x67: {  	_ =	shalt  }
0x68: {  	_ =	shalt  }
0x69: {  	_ =	shalt  }
0x6a: {  	_ =	shalt  }
0x6b: {  	_ =	shalt  }
0x6c: {  	_ =	shalt  }
0x6d: {  	_ =	shalt  }
0x6e: {  	_ =	shalt  }
0x6f: {  	_ =	shalt  }
0x70: {  	_ =	shalt  }
0x71: {  	_ =	shalt  }
0x72: {  	_ =	shalt  }
0x73: {  	_ =	shalt  }
0x74: {  	_ =	shalt  }
0x75: {  	_ =	shalt  }
0x76: {  	_ =	shalt  }
0x77: {  	_ =	shalt  }
0x78: {  	_ =	shalt  }
0x79: {  	_ =	shalt  }
0x7a: {  	_ =	shalt  }
0x7b: {  	_ =	shalt  }
0x7c: {  	_ =	shalt  }
0x7d: {  	_ =	shalt  }
0x7e: {  	_ =	shalt  }
0x7f: {  	_ =	shalt  }
0x80: {  	_ =	shalt  }
0x81: {  	_ =	shalt  }
0x82: {  	_ =	shalt  }
0x83: {  	_ =	shalt  }
0x84: {  	_ =	shalt  }
0x85: {  	_ =	shalt  }
0x86: {  	_ =	shalt  }
0x87: {  	_ =	shalt  }
.Lfunc_end0:
.L_simem_size_0:
called_computation_lowered:
.L_overlay_start_0:
0x88: {  	s2 =	sld [smem:$0x3FD9]  }
0x89: {  	s3 =	sld [smem:$0x3FFE];
	_ =	sdelay $0x1  }
0x8a: {  	s1 =	srdreg.scid  }
0x8b: {  	s0 =	sand.u32 $0x1, s1  }
0x8c: {  	s15 =	sshll.u32 s0, $0xA;
	s2 =	sadd.s32 s3, s2  }
0x8d: {  	s2 =	sadd.s32 s2, s15  }
0x8e: {  	[smem:$0x3FC3] =	sst s2  }
0x8f: {  	_ = 	snop  }
0x90: {  	s2 =	sld [smem:$0x3FC9]  }
0x91: {  	s16 =	sld [smem:$0x3FC8]  }
0x92: {  	s4 =	sld [smem:$0x3FD0]  }
0x93: {  	s5 =	sld [smem:$0x3FC7]  }
0x94: {  	s6 =	sld [smem:$0x3FC6]  }
0x95: {  	s8 =	simm.s32 $0xA;
	s9 =	simm.s32 $0x10;
	s7 =	sld [smem:$0x3FC5]  }
0x96: {  	[smem:s9], [sflag:s8] =	dma.local [hbm:s4], $0x1  }
0x97: {  	_ =	swait.eq [sflag:s8], $0x1  }
0x98: {  	[sflag:s8] =	ssyncset.done $0x0  }
0x99: {  	s17 =	sld [smem:$0x10];
	[sflag:s8] =	ssyncadd.s32 $0xFFFFFFFF  }
0x9a: {  	s18 =	sld [smem:$0x11];
	(tm) =	ssettm $0x1  }
0x9b: {  	s19 =	sld [smem:$0x3FFB];
	_ =	sdelay $0x3  }
0x9c: {  	_ =	strace s19  }
0x9d: {  	s9 =	sld [smem:$0x3FFC];
	_ =	sdelay $0x3  }
0x9e: {  	_ =	strace s9  }
0x9f: {  	s9 =	sld [smem:$0x3FFD];
	_ =	sdelay $0x3  }
0xa0: {  	_ =	strace s9  }
0xa1: {  	_ =	strace $0x8FFFFFFF  }
0xa2: {  	s20 =	sld [smem:$0x3FDB];
	_ =	sdelay $0x1  }
0xa3: {  	s10 =	simm.s32 $_scs_section_size  }
0xa4: {  	s11 =	simm.s32 $_size__tile_overlayer_lowered;
	s12 =	simm.s32 $_tile_overlayer_lowered  }
0xa5: {  	s23 =	simm.s32 $0x1BFF;
	s22 =	sshll.u32 s12, $0x1;
	s9 =	sadd.s32 s10, s20  }
0xa6: {  	s13 =	simm.s32 $0x0;
	s21 =	sshll.u32 s11, $0x1;
	s11 =	sadd.s32 s22, s9  }
0xa7: {  	[timem:s13], [sflag:s23] =	dma.local [hbm:s11], s21  }
0xa8: {  	_ =	swait.ge [sflag:s23], s21  }
0xa9: {  	s10 =	ssub.s32 $0x0, s21;
	[sflag:s23] =	ssyncset.done $0x0  }
0xaa: {  	[sflag:s23] =	ssyncadd.s32 s10;
	_ =	sdelay $0x1  }
0xab: {  	s24 =	simm.s32 $0x1B8B  }
0xac: {  	_ =	swait.ge [sflag:s24], $0x1  }
0xad: {  	[sflag:s24] =	ssyncset.done $0x0  }
0xae: {  	s25 =	simm.s32 $0x1B8E;
	[sflag:s24] =	ssyncadd.s32 $0xFFFFFFFF  }
0xaf: {  	s26 =	simm.s32 $execute0_lowered;
	[smem:$0x3FD2] =	sst s25  }
0xb0: {  	s10 =	sshll.u32 s26, $0x1;
	_ =	strace $0x80000046;
	[dreg:$0x1] =	wrdreg $0xFFFFFFFF  }
0xb1: {  	s28 =	simm.s32 $_size_execute0_lowered;
	s9 =	sadd.s32 s9, s10;
	[dreg:$0x0] =	wrdreg $0x0  }
0xb2: {  	s10 =	sshll.u32 s28, $0x1;
	[dreg:$0x2] =	wrdreg s9  }
0xb3: {  	[dreg:$0x3] =	wrdreg s10  }
0xb4: {  	[dreg:$0x4] =	wrdreg $0xC0  }
0xb5: {  	_ =	task [dreg:s13], $0x5FFFF  }
0xb6: {  	[dreg:$0x1] =	wrdreg $0xFFFFFFFF  }
0xb7: {  	[dreg:$0x0] =	wrdreg $0x60  }
0xb8: {  	[dreg:$0x2] =	wrdreg s2  }
0xb9: {  	[dreg:$0x3] =	wrdreg s16  }
0xba: {  	[dreg:$0x4] =	wrdreg s5  }
0xbb: {  	[dreg:$0x5] =	wrdreg s6  }
0xbc: {  	[dreg:$0x6] =	wrdreg s7  }
0xbd: {  	[dreg:$0x7] =	wrdreg s17  }
0xbe: {  	[dreg:$0x8] =	wrdreg s18  }
0xbf: {  	[dreg:$0x9] =	wrdreg $0x9  }
0xc0: {  	_ =	task.clear_ibuf [dreg:s13], $0xAFFFF;
	_ =	strace $0x90000046  }
0xc1: {  	s29 =	simm.s32 $0x9;
	_ =	strace $0x80000048  }
0xc2: {  	_ =	swait.ge [sflag:s29], $0x1  }
0xc3: {  	[sflag:s29] =	ssyncadd.s32 $0xFFFFFFFF  }
0xc4: {  	_ =	strace $0x90000048  }
0xc5: {  	_ =	sfence  }
0xc6: {  	s30 =	sld [smem:$0x0];
	_ =	sdelay $0x2  }
0xc7: {  	s31 =	sshll.u32 s1, $0xD;
	s1 =	sshrl.u32 s1, $0x2  }
0xc8: {  	s3 =	sand.u32 $0x4000, s31;
	s1 =	sadd.s32 s1, s30  }
0xc9: {  	s0 =	sor.u32 s3, s0;
	s1 =	sshll.u32 s1, $0x11  }
0xca: {  	s0 =	sor.u32 s1, s0  }
0xcb: {  	s0 =	sadd.s32 $0x8F2B, s0  }
0xcc: {  	[sflag:s0] =	ssyncadd.remote.s32 $0x1  }
0xcd: {  	_ =	sfence.sel $0xFFFF  }
0xce: {  	[dreg:$0x0] =	wrdreg $0xFFFFFFFF;
	(pc) =	sbr.abs _section_cstart, $3  }
0xcf: {  	[dreg:$0x1] =	wrdreg $0xFFFFFFFF  }
0xd0: {  	_ =	task.clear_ibuf [dreg:s13], $0x2FFFF;
	_ =	strace $0x9FFFFFFF  }
0xd1: {  	(tm) =	ssettm $0x7FFFFFFF  }
tec
execute0_lowered:
.L_overlay_start_1:
0x0: {  	(tag) =	ssettag $0x1  }
0x1: {  	s0 =	rddreg [dreg:$0x0]  }
0x2: {  	s3 =	rddreg [dreg:$0x1]  }
0x3: {  	s7 =	rddreg [dreg:$0x2]  }
0x4: {  	s1 =	rddreg [dreg:$0x3]  }
0x5: {  	s2 =	rddreg [dreg:$0x4]  }
0x6: {  	s8 =	rddreg [dreg:$0x5];
	s12 =	simm.s32 $0x400;
	v0 =	vimm.s32 $0xFEDCBA98;
	v1 =	vimm.s32 $0x76543210  }
0x7: {  	s9 =	rddreg [dreg:$0x6];
	s5 =	srdreg.scid;
	v2 =	vimm.s32 $0x3210FEDC;
	v3 =	vimm.s32 $0xBA987654;
	v4 =	vimm.s32 $0x10FEDCBA  }
0x8: {  	s4 =	simm.s32 $0x0;
	s10 =	stileid.u32;
	s13 =	simm.s32 $0x1;
	v5 =	vimm.s32 $0x98765432;
	v6 =	vimm.s32 $0xFEDCBA9;
	v7 =	vimm.s32 $0x87654321  }
0x9: {  	s14 =	simm.s32 $0x10;
	s30 =	simm.s32 $0x60;
	s31 =	simm.s32 $0x3600;
	v0 =	vunpack.c.l.s4.s8 v0;
	v1 =	vunpack.c.l.s4.s8 v1;
	v2 =	vunpack.c.l.s4.s8 v2  }
0xa: {  	s15 =	simm.s32 $0x460;
	s16 =	simm.s32 $0xB600;
	s17 =	simm.s32 $0xC600;
	v3 =	vunpack.c.l.s4.s8 v3;
	v4 =	vunpack.c.l.s4.s8 v4;
	v5 =	vunpack.c.l.s4.s8 v5  }
0xb: {  	s18 =	simm.s32 $0xA;
	s19 =	simm.s32 $0xC800;
	s5 =	sand.u32 $0x1, s5;
	v6 =	vunpack.c.l.s4.s8 v6;
	v7 =	vunpack.c.l.s4.s8 v7;
	v0 =	vunpack.c.0.s8.s32 v0  }
0xc: {  	s20 =	simm.s32 $0x0;
	s10 =	sshll.u32 s10, $0x7;
	s6 =	ssub.s32 $0x2, s5;
	v2 =	vunpack.c.0.s8.s32 v2;
	v3 =	vunpack.c.0.s8.s32 v3;
	v4 =	vunpack.c.0.s8.s32 v4  }
0xd: {  	[smem:$0x7FF] =	sst s4;
	s5 =	sshll.u32 s5, $0x6;
	s11 =	sshrl.u32 s6, $0x1;
	v5 =	vunpack.c.0.s8.s32 v5;
	v6 =	vunpack.c.0.s8.s32 v6;
	v7 =	vunpack.c.0.s8.s32 v7  }
0xe: {  	_ =	strace $0x80000047;
	s10 =	sor.u32 s5, s10;
	v1 =	vunpack.c.0.s8.s32 v1;
	s11 =	ssub.s32 s6, s11;
	v2 =	vcombine.low v3, v2  }
0xf: {  	s5 =	sadd.s32 s0, s10;
	s6 =	sadd.s32 s3, s10;
	s7 =	sadd.s32 s7, s10;
	v3 =	vcombine.low v5, v4;
	v4 =	vand.u32 $0xF, v0;
	v5 =	vcombine.low v7, v6  }
0x10: {  	s8 =	sadd.s32 s8, s10;
	s9 =	sadd.s32 s9, s10;
	s0 =	simm.s32 $0x260;
	v0 =	vlaneseq.u32;
	v1 =	vcombine.low v4, v1  }
0x11: {  	s3 =	simm.s32 $0x7600;
	s10 =	smax.u32 s11, $0x1;
	s11 =	simm.s32 $0x200;
	v2 =	vand.u32 $0xF, v2;
	v3 =	vand.u32 $0xF, v3;
	v4 =	vand.u32 $0xF, v5  }
.LBB2_1:
0x12: {  	[tilespmem:s4], [sflag:$0x1] =	stream.linear.gather [hbm4b:s5+s4], $0x200, $0x38;
	[tilespmem:$0xCA00] =	vst v63  }
0x13: {  	_ = 	snop  }
0x14: {  	[tilespmem:s11], [sflag:$0x1] =	stream.linear.gather [hbm4b:s6+s4], $0x200, $0x38;
	[tilespmem:$0xCA00] =	vst v63  }
0x15: {  	_ = 	snop  }
0x16: {  	[tilespmem:s12], [sflag:$0x1] =	stream.linear.gather [hbm4b:s7+s4], $0x200, $0x38;
	[tilespmem:$0xCA00] =	vst v63  }
0x17: {  	_ =	swait.ge [sflag:s13], $0x200  }
0x18: {  	[sflag:s13] =	ssyncset.done $0x0  }
0x19: {  	[sflag:s13] =	ssyncadd.s32 $0xFFFFFE00  }
0x1a: {  	_ =	swait.ge [sflag:s13], $0x200  }
0x1b: {  	[sflag:s13] =	ssyncset.done $0x0  }
0x1c: {  	[sflag:s13] =	ssyncadd.s32 $0xFFFFFE00  }
0x1d: {  	_ =	swait.ge [sflag:s13], $0x200  }
0x1e: {  	[sflag:s13] =	ssyncset.done $0x0  }
0x1f: {  	s21 =	simm.s32 $0x600;
	[sflag:s13] =	ssyncadd.s32 $0xFFFFFE00  }
0x20: {  	[tilespmem:s21], [sflag:$0x2] =	stream.indirect.gather [hbm4b:s1+s14], $0x80, s4, s14, $0xb8;
	[tilespmem:$0xCA00] =	vst v63  }
0x21: {  	s23 =	simm.s32 $0x4600  }
0x22: {  	[tilespmem:s23], [sflag:$0x2] =	stream.indirect.gather [hbm4b:s2+s14], $0x80, s11, s14, $0xb8;
	[tilespmem:$0xCA00] =	vst v63  }
0x23: {  	s24 =	simm.s32 $0x8600  }
0x24: {  	[tilespmem:s24], [sflag:$0x2] =	stream.indirect.gather [hbm4b:s2+s14], $0x80, s12, s14, $0xb8;
	[tilespmem:$0xCA00] =	vst v63  }
0x25: {  	s25 =	simm.s32 $0xE00  }
0x26: {  	[tilespmem:s25], [sflag:$0x3] =	stream.indirect.gather [hbm4b:s1+s14], $0x80, s14, s14, $0xb8;
	[tilespmem:$0xCA00] =	vst v63  }
0x27: {  	s26 =	simm.s32 $0x210;
	s22 =	simm.s32 $0x4E00  }
0x28: {  	[tilespmem:s22], [sflag:$0x3] =	stream.indirect.gather [hbm4b:s2+s14], $0x80, s26, s14, $0xb8;
	[tilespmem:$0xCA00] =	vst v63  }
0x29: {  	s28 =	simm.s32 $0x410;
	s29 =	simm.s32 $0x8E00  }
0x2a: {  	[tilespmem:s29], [sflag:$0x3] =	stream.indirect.gather [hbm4b:s2+s14], $0x80, s28, s14, $0xb8;
	[tilespmem:$0xCA00] =	vst v63  }
0x2b: {  	s23 =	simm.s32 $0x20;
	s24 =	simm.s32 $0x1600  }
0x2c: {  	[tilespmem:s24], [sflag:$0x4] =	stream.indirect.gather [hbm4b:s1+s14], $0x80, s23, s14, $0xb8;
	[tilespmem:$0xCA00] =	vst v63  }
0x2d: {  	s25 =	simm.s32 $0x220;
	s26 =	simm.s32 $0x5600  }
0x2e: {  	[tilespmem:s26], [sflag:$0x4] =	stream.indirect.gather [hbm4b:s2+s14], $0x80, s25, s14, $0xb8;
	[tilespmem:$0xCA00] =	vst v63  }
0x2f: {  	s28 =	simm.s32 $0x420;
	s29 =	simm.s32 $0x9600  }
0x30: {  	[tilespmem:s29], [sflag:$0x4] =	stream.indirect.gather [hbm4b:s2+s14], $0x80, s28, s14, $0xb8;
	[tilespmem:$0xCA00] =	vst v63  }
0x31: {  	s23 =	simm.s32 $0x30;
	s24 =	simm.s32 $0x1E00  }
0x32: {  	[tilespmem:s24], [sflag:$0x5] =	stream.indirect.gather [hbm4b:s1+s14], $0x80, s23, s14, $0xb8;
	[tilespmem:$0xCA00] =	vst v63  }
0x33: {  	s25 =	simm.s32 $0x230;
	s26 =	simm.s32 $0x5E00  }
0x34: {  	[tilespmem:s26], [sflag:$0x5] =	stream.indirect.gather [hbm4b:s2+s14], $0x80, s25, s14, $0xb8;
	[tilespmem:$0xCA00] =	vst v63  }
0x35: {  	s28 =	simm.s32 $0x430;
	s29 =	simm.s32 $0x9E00  }
0x36: {  	[tilespmem:s29], [sflag:$0x5] =	stream.indirect.gather [hbm4b:s2+s14], $0x80, s28, s14, $0xb8;
	[tilespmem:$0xCA00] =	vst v63  }
0x37: {  	s23 =	simm.s32 $0x40;
	s24 =	simm.s32 $0x2600  }
0x38: {  	[tilespmem:s24], [sflag:$0x6] =	stream.indirect.gather [hbm4b:s1+s14], $0x80, s23, s14, $0xb8;
	[tilespmem:$0xCA00] =	vst v63  }
0x39: {  	s25 =	simm.s32 $0x240;
	s26 =	simm.s32 $0x6600  }
0x3a: {  	[tilespmem:s26], [sflag:$0x6] =	stream.indirect.gather [hbm4b:s2+s14], $0x80, s25, s14, $0xb8;
	[tilespmem:$0xCA00] =	vst v63  }
0x3b: {  	s28 =	simm.s32 $0x440;
	s29 =	simm.s32 $0xA600  }
0x3c: {  	[tilespmem:s29], [sflag:$0x6] =	stream.indirect.gather [hbm4b:s2+s14], $0x80, s28, s14, $0xb8;
	[tilespmem:$0xCA00] =	vst v63  }
0x3d: {  	s23 =	simm.s32 $0x50;
	s24 =	simm.s32 $0x2E00  }
0x3e: {  	[tilespmem:s24], [sflag:$0x7] =	stream.indirect.gather [hbm4b:s1+s14], $0x80, s23, s14, $0xb8;
	[tilespmem:$0xCA00] =	vst v63  }
0x3f: {  	s25 =	simm.s32 $0x250;
	s26 =	simm.s32 $0x6E00  }
0x40: {  	[tilespmem:s26], [sflag:$0x7] =	stream.indirect.gather [hbm4b:s2+s14], $0x80, s25, s14, $0xb8;
	[tilespmem:$0xCA00] =	vst v63  }
0x41: {  	s28 =	simm.s32 $0x450;
	s29 =	simm.s32 $0xAE00  }
0x42: {  	[tilespmem:s29], [sflag:$0x7] =	stream.indirect.gather [hbm4b:s2+s14], $0x80, s28, s14, $0xb8;
	[tilespmem:$0xCA00] =	vst v63  }
0x43: {  	_ = 	snop  }
0x44: {  	[tilespmem:s31], [sflag:$0x8] =	stream.indirect.gather [hbm4b:s1+s14], $0x80, s30, s14, $0xb8;
	[tilespmem:$0xCA00] =	vst v63  }
0x45: {  	_ = 	snop  }
0x46: {  	[tilespmem:s3], [sflag:$0x8] =	stream.indirect.gather [hbm4b:s2+s14], $0x80, s0, s14, $0xb8;
	[tilespmem:$0xCA00] =	vst v63  }
0x47: {  	s21 =	simm.s32 $0x0;
	s22 =	simm.s32 $0x0  }
0x48: {  	[tilespmem:s16], [sflag:$0x8] =	stream.indirect.gather [hbm4b:s2+s14], $0x80, s15, s14, $0xb8;
	[tilespmem:$0xCA00] =	vst v63  }
.LBB2_2:
0x49: {  	p0 =	sgt.u32 s22, $0x18  }
0x4a: {  	s23 =	sadd.s32 @!p0 $0x7, s22  }
0x4b: {  	s24 =	sand.u32 @!p0 $0x7, s23  }
0x4c: {  	s28 =	simm.s32 @!p0 $0x10;
	s25 =	sshll.u32 @!p0 s24, $0xB  }
0x4d: {  	s23 =	sshll.u32 @!p0 s23, $0x4;
	s24 =	sadd.s32 @!p0 $0x2, s24;
	s26 =	sor.u32 @!p0 $0x600, s25  }
0x4e: {  	[tilespmem:s26], [sflag:s24] =	stream.indirect.gather @!p0 [hbm4b:s1+s28], $0x80, s23, s28, $0xb8;
	[tilespmem:$0xCA00] =	vst v63  }
0x4f: {  	s29 =	sadd.s32 @!p0 $0x200, s23;
	s26 =	sor.u32 @!p0 $0x4600, s25  }
0x50: {  	[tilespmem:s26], [sflag:s24] =	stream.indirect.gather @!p0 [hbm4b:s2+s28], $0x80, s29, s28, $0xb8;
	[tilespmem:$0xCA00] =	vst v63  }
0x51: {  	s25 =	sor.u32 @!p0 $0x8600, s25;
	s23 =	sadd.s32 @!p0 $0x400, s23  }
0x52: {  	[tilespmem:s25], [sflag:s24] =	stream.indirect.gather @!p0 [hbm4b:s2+s28], $0x80, s23, s28, $0xb8;
	[tilespmem:$0xCA00] =	vst v63  }
0x53: {  	s24 =	sand.u32 $0x7, s22  }
0x54: {  	s23 =	sadd.s32 $0x2, s24  }
0x55: {  	_ =	swait.ge [sflag:s23], $0x800  }
0x56: {  	[sflag:s23] =	ssyncset.done $0x0  }
0x57: {  	[sflag:s23] =	ssyncadd.s32 $0xFFFFF800  }
0x58: {  	_ =	swait.ge [sflag:s23], $0x800  }
0x59: {  	[sflag:s23] =	ssyncset.done $0x0  }
0x5a: {  	[sflag:s23] =	ssyncadd.s32 $0xFFFFF800  }
0x5b: {  	s25 =	sshll.u32 s21, $0xB;
	_ =	swait.ge [sflag:s23], $0x800  }
0x5c: {  	s24 =	sand.u32 $0x3800, s25;
	[sflag:s23] =	ssyncset.done $0x0  }
0x5d: {  	s25 =	sor.u32 $0x4640, s24;
	[sflag:s23] =	ssyncadd.s32 $0xFFFFF800  }
0x5e: {  	v5 =	vld [tilespmem:s25+$0x30]  }
0x5f: {  	v6 =	vld [tilespmem:s25+$0x20]  }
0x60: {  	v7 =	vld [tilespmem:s25+$0x10]  }
0x61: {  	v8 =	vld [tilespmem:s25+$0x0]  }
0x62: {  	v9 =	vld [tilespmem:s25+$0xFFFFFFF0]  }
0x63: {  	v10 =	vld [tilespmem:s25+$0xFFFFFFE0]  }
0x64: {  	v11 =	vld [tilespmem:s25+$0xFFFFFFD0]  }
0x65: {  	s26 =	sor.u32 $0x640, s24;
	v12 =	vld [tilespmem:s25+$0xFFFFFFC0]  }
0x66: {  	s24 =	sor.u32 $0x8640, s24;
	v13 =	vld [tilespmem:s26+$0xFFFFFFC0]  }
0x67: {  	v14 =	vld [tilespmem:s24+$0xFFFFFFC0]  }
0x68: {  	v15 =	vld [tilespmem:s26+$0xFFFFFFD0]  }
0x69: {  	v16 =	vld [tilespmem:s24+$0xFFFFFFD0]  }
0x6a: {  	v17 =	vld [tilespmem:s26+$0xFFFFFFE0]  }
0x6b: {  	v18 =	vld [tilespmem:s24+$0xFFFFFFE0];
	v12 =	vmul.f32 v12, v13  }
0x6c: {  	v13 =	vmul.f32 v14, v13;
	v14 =	vld [tilespmem:s26+$0xFFFFFFF0]  }
0x6d: {  	v19 =	vld [tilespmem:s24+$0xFFFFFFF0];
	v11 =	vmul.f32 v11, v15;
	v12 =	vadd.f32 $0.0e+00, v12  }
0x6e: {  	v15 =	vmul.f32 v16, v15;
	v16 =	vld [tilespmem:s26+$0x0];
	v13 =	vadd.f32 $0.0e+00, v13  }
0x6f: {  	v10 =	vmul.f32 v10, v17;
	v11 =	vadd.f32 v11, v12;
	v12 =	vld [tilespmem:s24+$0x0]  }
0x70: {  	v13 =	vadd.f32 v15, v13;
	v15 =	vmul.f32 v18, v17;
	v17 =	vld [tilespmem:s26+$0x10]  }
0x71: {  	v9 =	vmul.f32 v9, v14;
	v10 =	vadd.f32 v10, v11;
	v11 =	vld [tilespmem:s24+$0x10]  }
0x72: {  	v14 =	vmul.f32 v19, v14;
	v13 =	vadd.f32 v15, v13;
	v15 =	vld [tilespmem:s26+$0x20]  }
0x73: {  	v8 =	vmul.f32 v8, v16;
	v9 =	vadd.f32 v9, v10;
	v10 =	vld [tilespmem:s24+$0x20]  }
0x74: {  	v13 =	vadd.f32 v14, v13;
	v14 =	vld [tilespmem:s26+$0x30];
	v12 =	vmul.f32 v12, v16  }
0x75: {  	s28 =	sadd.s32 $0x80, s25;
	v18 =	vld [tilespmem:s24+$0x30];
	v16 =	vmul.f32 v7, v17;
	v9 =	vadd.f32 v8, v9  }
0x76: {  	s25 =	sadd.s32 $0x80, s26;
	s26 =	sadd.s32 $0x80, s24;
	v7 =	vld [tilespmem:s28+$0x20];
	v12 =	vadd.f32 v12, v13;
	v11 =	vmul.f32 v11, v17  }
0x77: {  	v19 =	vld [tilespmem:s26+$0xFFFFFFC0];
	v6 =	vmul.f32 v6, v15;
	v13 =	vadd.f32 v16, v9  }
0x78: {  	v8 =	vld [tilespmem:s28+$0x30];
	v12 =	vadd.f32 v11, v12;
	v15 =	vmul.f32 v10, v15  }
0x79: {  	v17 =	vld [tilespmem:s28+$0xFFFFFFC0];
	v5 =	vmul.f32 v5, v14;
	v6 =	vadd.f32 v6, v13  }
0x7a: {  	v9 =	vld [tilespmem:s28+$0x10];
	v14 =	vmul.f32 v18, v14;
	v13 =	vadd.f32 v15, v12  }
0x7b: {  	v16 =	vld [tilespmem:s28+$0xFFFFFFD0];
	v6 =	vadd.f32 v5, v6  }
0x7c: {  	v10 =	vld [tilespmem:s28+$0x0];
	v13 =	vadd.f32 v14, v13  }
0x7d: {  	v11 =	vld [tilespmem:s28+$0xFFFFFFF0];
	v14 =	vperm.xlane v6, v1  }
0x7e: {  	v18 =	vld [tilespmem:s25+$0xFFFFFFC0];
	v15 =	vperm.xlane v13, v1  }
0x7f: {  	s29 =	simm.s32 $0x2;
	s23 =	simm.s32 $0x1;
	s24 =	simm.s32 $0x0;
	v12 =	vld [tilespmem:s28+$0xFFFFFFE0];
	v5 =	vimm.f32 $0.0e+00;
	v14 =	vadd.f32 v14, v6;
	v6 =	vimm.f32 $0.0e+00  }
.LBB2_3:
0x80: {  	p0 =	sne.s32 s29, $0xF;
	v20 =	vld [tilespmem:s25+$0xFFFFFFD0];
	v13 =	vadd.f32 v15, v13  }
0x81: {  	v15 =	vld [tilespmem:s26+$0xFFFFFFD0];
	v21 =	vperm.xlane v14, v2  }
0x82: {  	v22 =	vld [tilespmem:s25+$0xFFFFFFE0];
	v23 =	vperm.xlane v13, v2  }
0x83: {  	v17 =	vmul.f32 v17, v18;
	v24 =	vld [tilespmem:s26+$0xFFFFFFE0];
	v14 =	vadd.f32 v21, v14  }
0x84: {  	v18 =	vmul.f32 v19, v18;
	v19 =	vld [tilespmem:s25+$0xFFFFFFF0];
	v13 =	vadd.f32 v23, v13  }
0x85: {  	v17 =	vadd.f32 $0.0e+00, v17;
	v16 =	vmul.f32 v16, v20;
	v21 =	vld [tilespmem:s26+$0xFFFFFFF0];
	v23 =	vperm.xlane v14, v3  }
0x86: {  	v18 =	vadd.f32 $0.0e+00, v18;
	v15 =	vmul.f32 v15, v20;
	v20 =	vld [tilespmem:s25+$0x0];
	v25 =	vperm.xlane v13, v3  }
0x87: {  	v16 =	vadd.f32 v16, v17;
	v12 =	vmul.f32 v12, v22;
	v17 =	vld [tilespmem:s26+$0x0];
	v14 =	vadd.f32 v23, v14  }
0x88: {  	v15 =	vadd.f32 v15, v18;
	v18 =	vmul.f32 v24, v22;
	v22 =	vld [tilespmem:s25+$0x10];
	v13 =	vadd.f32 v25, v13  }
0x89: {  	v12 =	vadd.f32 v12, v16;
	v11 =	vmul.f32 v11, v19;
	v16 =	vld [tilespmem:s26+$0x10];
	v23 =	vperm.xlane v14, v4  }
0x8a: {  	v15 =	vadd.f32 v18, v15;
	v18 =	vmul.f32 v21, v19;
	v19 =	vld [tilespmem:s25+$0x20];
	v21 =	vperm.xlane v13, v4  }
0x8b: {  	v11 =	vadd.f32 v11, v12;
	v10 =	vmul.f32 v10, v20;
	v12 =	vld [tilespmem:s26+$0x20];
	v14 =	vadd.f32 v23, v14  }
0x8c: {  	v15 =	vadd.f32 v18, v15;
	v17 =	vmul.f32 v17, v20;
	v18 =	vld [tilespmem:s25+$0x30];
	v13 =	vadd.f32 v21, v13  }
0x8d: {  	s28 =	sadd.s32 $0x80, s28;
	v10 =	vadd.f32 v10, v11;
	v9 =	vmul.f32 v9, v22;
	v20 =	vld [tilespmem:s26+$0x30];
	v11 =	vmov s24;
	s24 =	smov.u32 s23;
	s23 =	smov.u32 s29  }
0x8e: {  	v21 =	vld [tilespmem:s28+$0x30];
	v15 =	vadd.f32 v17, v15;
	v16 =	vmul.f32 v16, v22;
	v13 =	vbroadcast v13, $0x0  }
0x8f: {  	vm0 =	veq.s32 v11, v0;
	v17 =	vadd.f32 v9, v10;
	v22 =	vmul.f32 v7, v19;
	v7 =	vld [tilespmem:s28+$0x20]  }
0x90: {  	v9 =	vld [tilespmem:s28+$0x10];
	v15 =	vadd.f32 v16, v15;
	v12 =	vmul.f32 v12, v19;
	v5 =	vsel vm0, v13, v5  }
0x91: {  	v14 =	vbroadcast v14, $0x0;
	v10 =	vld [tilespmem:s28+$0x0];
	v13 =	vadd.f32 v22, v17;
	v16 =	vmul.f32 v8, v18  }
0x92: {  	v11 =	vld [tilespmem:s28+$0xFFFFFFF0];
	v15 =	vadd.f32 v12, v15;
	v17 =	vmul.f32 v20, v18  }
.Ltmp0:
0x93: {  	v6 =	vsel vm0, v14, v6;
	v12 =	vld [tilespmem:s28+$0xFFFFFFE0];
	v20 =	vadd.f32 v16, v13;
	v8 =	vmov v21;
	(pc) =	sbr.rel @p0 .LBB2_3-.Ltmp0, $4  }
0x94: {  	v16 =	vld [tilespmem:s28+$0xFFFFFFD0];
	v13 =	vadd.f32 v17, v15  }
0x95: {  	s25 =	sadd.s32 $0x80, s25;
	v17 =	vld [tilespmem:s28+$0xFFFFFFC0];
	v14 =	vperm.xlane v20, v1  }
0x96: {  	s26 =	sadd.s32 $0x80, s26;
	v18 =	vld [tilespmem:s25+$0xFFFFFFC0];
	v15 =	vperm.xlane v13, v1  }
0x97: {  	s29 =	sadd.s32 $0x1, s29;
	v19 =	vld [tilespmem:s26+$0xFFFFFFC0];
	v14 =	vadd.f32 v14, v20  }
0x98: {  	v20 =	vld [tilespmem:s25+$0xFFFFFFD0]  }
0x99: {  	v21 =	vld [tilespmem:s26+$0xFFFFFFD0]  }
0x9a: {  	v22 =	vld [tilespmem:s25+$0xFFFFFFE0]  }
0x9b: {  	v23 =	vld [tilespmem:s26+$0xFFFFFFE0];
	v17 =	vmul.f32 v17, v18  }
0x9c: {  	v34 =	vld [tilespmem:s25+$0xFFFFFFF0];
	v33 =	vmul.f32 v19, v18  }
0x9d: {  	v24 =	vld [tilespmem:s26+$0xFFFFFFF0];
	v17 =	vadd.f32 $0.0e+00, v17;
	v16 =	vmul.f32 v16, v20  }
0x9e: {  	v35 =	vld [tilespmem:s25+$0x0];
	v20 =	vmul.f32 v21, v20;
	v18 =	vadd.f32 $0.0e+00, v33  }
0x9f: {  	v36 =	vld [tilespmem:s26+$0x0];
	v12 =	vmul.f32 v12, v22;
	v16 =	vadd.f32 v16, v17  }
0xa0: {  	v38 =	vld [tilespmem:s25+$0x10];
	v37 =	vmul.f32 v23, v22;
	v18 =	vadd.f32 v20, v18  }
0xa1: {  	v39 =	vld [tilespmem:s26+$0x10];
	v11 =	vmul.f32 v11, v34;
	v12 =	vadd.f32 v12, v16  }
0xa2: {  	v40 =	vld [tilespmem:s25+$0x20];
	v19 =	vmul.f32 v24, v34;
	v18 =	vadd.f32 v37, v18  }
0xa3: {  	v41 =	vld [tilespmem:s26+$0x20];
	v10 =	vmul.f32 v10, v35;
	v11 =	vadd.f32 v11, v12  }
0xa4: {  	v42 =	vld [tilespmem:s25+$0x30];
	v17 =	vmul.f32 v36, v35;
	v18 =	vadd.f32 v19, v18  }
0xa5: {  	v43 =	vld [tilespmem:s26+$0x30];
	v9 =	vmul.f32 v9, v38;
	v10 =	vadd.f32 v10, v11  }
0xa6: {  	v16 =	vmul.f32 v39, v38;
	v17 =	vadd.f32 v17, v18  }
0xa7: {  	v7 =	vmul.f32 v7, v40;
	v9 =	vadd.f32 v9, v10  }
0xa8: {  	v12 =	vmul.f32 v41, v40;
	v44 =	vadd.f32 v16, v17  }
0xa9: {  	v8 =	vmul.f32 v8, v42;
	v7 =	vadd.f32 v7, v9  }
0xaa: {  	v46 =	vmul.f32 v43, v42;
	v45 =	vadd.f32 v12, v44  }
0xab: {  	v7 =	vadd.f32 v8, v7  }
0xac: {  	v47 =	vadd.f32 v46, v45  }
0xad: {  	v48 =	vperm.xlane v7, v1  }
0xae: {  	v50 =	vperm.xlane v47, v1  }
0xaf: {  	v49 =	vadd.f32 v15, v13;
	v7 =	vadd.f32 v48, v7  }
0xb0: {  	v51 =	vperm.xlane v14, v2;
	v8 =	vadd.f32 v50, v47  }
0xb1: {  	v52 =	vperm.xlane v49, v2;
	v53 =	vperm.xlane v7, v2  }
0xb2: {  	v9 =	vadd.f32 v51, v14;
	v54 =	vperm.xlane v8, v2  }
0xb3: {  	v10 =	vadd.f32 v52, v49;
	v7 =	vadd.f32 v53, v7  }
0xb4: {  	v55 =	vperm.xlane v9, v3;
	v8 =	vadd.f32 v54, v8  }
0xb5: {  	v56 =	vperm.xlane v10, v3;
	v57 =	vperm.xlane v7, v3  }
0xb6: {  	v9 =	vadd.f32 v55, v9;
	v58 =	vperm.xlane v8, v3  }
0xb7: {  	v10 =	vadd.f32 v56, v10;
	v7 =	vadd.f32 v57, v7  }
0xb8: {  	v59 =	vperm.xlane v9, v4;
	v8 =	vadd.f32 v58, v8  }
0xb9: {  	v13 =	vperm.xlane v10, v4;
	v60 =	vperm.xlane v7, v4  }
0xba: {  	v9 =	vadd.f32 v59, v9;
	v61 =	vperm.xlane v8, v4  }
0xbb: {  	v62 =	vmov s24;
	s29 =	sshll.u32 s22, $0x4;
	s22 =	sadd.s32 $0x1, s22;
	v10 =	vadd.f32 v13, v10;
	v7 =	vadd.f32 v60, v7  }
0xbc: {  	v63 =	vmov s23;
	p0 =	sne.s32 s22, $0x20;
	v9 =	vbroadcast v9, $0x0;
	v8 =	vadd.f32 v61, v8  }
.Ltmp1:
0xbd: {  	vm0 =	veq.s32 v62, v0;
	v10 =	vbroadcast v10, $0x0;
	v7 =	vbroadcast v7, $0x0;
	(pc) =	sbr.rel @p0 .LBB2_2-.Ltmp1, $4  }
0xbe: {  	vm1 =	veq.s32 v63, v0;
	v6 =	vsel vm0, v9, v6;
	v8 =	vbroadcast v8, $0x0  }
0xbf: {  	v5 =	vsel vm0, v10, v5;
	v6 =	vsel vm1, v7, v6  }
0xc0: {  	v5 =	vsel vm1, v8, v5;
	[tilespmem:s29+$0xC600] =	vst v6  }
0xc1: {  	s21 =	sadd.s32 $0x1, s21;
	[tilespmem:s29+$0xC800] =	vst v5  }
0xc2: {  	[hbm4b:s8+s4] =	stream.linear.scatter [tilespmem:s17], [sflag:$0xA], $0x200, $0x38;
	[tilespmem:$0xCA00] =	vst v63  }
0xc3: {  	s20 =	sadd.s32 $0x1, s20;
	_ =	swait.ge [sflag:s18], $0x200  }
0xc4: {  	p0 =	sne.s32 s20, s10;
	[sflag:s18] =	ssyncset.done $0x0  }
.Ltmp2:
0xc5: {  	[sflag:s18] =	ssyncadd.s32 $0xFFFFFE00;
	(pc) =	sbr.rel @p0 .LBB2_1-.Ltmp2, $4  }
0xc6: {  	[hbm4b:s9+s4] =	stream.linear.scatter [tilespmem:s19], [sflag:$0xA], $0x200, $0x38;
	[tilespmem:$0xCA00] =	vst v63  }
0xc7: {  	_ =	swait.ge [sflag:s18], $0x200  }
0xc8: {  	[sflag:s18] =	ssyncset.done $0x0  }
0xc9: {  	[sflag:s18] =	ssyncadd.s32 $0xFFFFFE00  }
0xca: {  	_ =	sfence.sel $0x180000  }
0xcb: {  	[bflag:$0x0] =	sbarrier.arrive $0xFFFF  }
0xcc: {  	_ =	strace $0x90000047  }
0xcd: {  	s0 =	stileid.u32;
	[bflag:$0x2] =	sbarrier.arrive $0xFFFF  }
0xce: {  	p0 =	sne.s32 s0, $0x0;
	s0 =	rddreg [dreg:$0x7]  }
0xcf: {  	s0 =	sadd.s32 @!p0 $0x100000, s0  }
0xd0: {  	[sflag:s0] =	ssyncadd.tile.s32 @!p0 $0x1;
	_ =	shalt  }
.Lfunc_end2:
_tile_overlayer_lowered:
.L_overlay_start_2:
0xd1: {  	(tag) =	ssettag $0x2  }
0xd2: {  	s0 =	rddreg [dreg:$0x0];
	s2 =	stileid.u32  }
0xd3: {  	s1 =	rddreg [dreg:$0x1];
	p0 =	sne.s32 s2, $0x0  }
0xd4: {  	s3 =	rddreg [dreg:$0x2];
	[bflag:$0x3] =	sbarrier.arrive $0xFFFF;
	s2 =	simm.s32 @!p0 $0x1C0A  }
0xd5: {  	[timem:s3], [sflag:s2] =	dma.local @!p0 [hbm:s0], s1  }
0xd6: {  	s0 =	simm.s32 @!p0 $0xA  }
0xd7: {  	_ =	swait.ge @!p0 [sflag:s0], s1  }
0xd8: {  	s1 =	ssub.s32 @!p0 $0x0, s1;
	[sflag:s0] =	ssyncset.done @!p0 $0x0  }
0xd9: {  	[sflag:s0] =	ssyncadd.s32 @!p0 s1  }
0xda: {  	[bflag:$0x3] =	sbarrier.arrive $0xFFFF  }
0xdb: {  	_ =	shalt  }

</sc_bundles>
